<compile_context>
chip_gen: v7x
topology: tpu7x:2x2x1
jax: 0.10.2.dev20260603
libtpu: 0.0.44.dev20260713+nightly
codegen_flags: <defaults>
</compile_context>

<pallas_src>
import functools

import jax
import jax.numpy as jnp
from jax import lax
from jax.experimental import pallas as pl
from jax.experimental.pallas import tpu as pltpu
import jax.experimental.pallas.tpu_sc as plsc

NC = 2
NS = 16
CH = 128


def _mm_body(x_ref, w_ref, o_ref):
    r = jnp.dot(x_ref[...], w_ref[...], preferred_element_type=jnp.float32)
    dh = r.shape[1] // 2
    o_ref[0] = r[:, :dh]
    o_ref[1] = r[:, dh:]


def _mid_body(agg_ref, y_ref, deg_ref, w_ref, b_ref, o_ref):
    a = jnp.concatenate([agg_ref[0] + y_ref[0], agg_ref[1] + y_ref[1]],
                        axis=1)
    deg = deg_ref[0][:, 0:1] + deg_ref[1][:, 0:1]
    h = jnp.maximum(a * (1.0 / (deg + 1.0)) + b_ref[...], 0.0)
    r = jnp.dot(h, w_ref[...], preferred_element_type=jnp.float32)
    dh = r.shape[1] // 2
    o_ref[0] = r[:, :dh]
    o_ref[1] = r[:, dh:]


def _fin_body(agg_ref, y_ref, deg_ref, b_ref, o_ref):
    a = jnp.concatenate([agg_ref[0] + y_ref[0], agg_ref[1] + y_ref[1]],
                        axis=1)
    deg = deg_ref[0][:, 0:1] + deg_ref[1][:, 0:1]
    o_ref[...] = a * (1.0 / (deg + 1.0)) + b_ref[...]


def _sc_agg_body(nch, rows, nbch, srcp, dstp, y, zc, degp_dep, aggp,
                 sidx, didx, gb0, gb1, agg_sh, sg0, sg1):
    c = lax.axis_index("c")
    s = lax.axis_index("s")
    r0 = s * rows
    npairs = nch // 2

    pltpu.sync_copy(zc, gb0)
    for kk in range(nbch):
        pltpu.sync_copy(gb0, agg_sh.at[pl.ds(r0 + kk * CH, CH)])

    pltpu.sync_copy(srcp.at[pl.ds(s * nch, nch)], sidx)
    pltpu.sync_copy(dstp.at[pl.ds(s * nch, nch)], didx)
    plsc.subcore_barrier()

    nsrc = y.shape[0] // NC
    ysl = y.at[pl.ds(c * nsrc, nsrc)]

    pltpu.async_copy(ysl.at[sidx.at[0]], gb0, sg0)

    def pair(j, carry):
        b = 2 * j
        pltpu.async_copy(ysl.at[sidx.at[b + 1]], gb1, sg1)
        pltpu.make_async_copy(ysl.at[sidx.at[b]], gb0, sg0).wait()
        pltpu.sync_copy(gb0, agg_sh.at[didx.at[b]], add=True)

        @pl.when(j + 1 < npairs)
        def _():
            pltpu.async_copy(ysl.at[sidx.at[b + 2]], gb0, sg0)

        pltpu.make_async_copy(ysl.at[sidx.at[b + 1]], gb1, sg1).wait()
        pltpu.sync_copy(gb1, agg_sh.at[didx.at[b + 1]], add=True)
        return carry

    lax.fori_loop(0, npairs, pair, 0)
    plsc.subcore_barrier()

    for kk in range(nbch):
        pltpu.sync_copy(agg_sh.at[pl.ds(r0 + kk * CH, CH)], gb0)
        pltpu.sync_copy(gb0, aggp.at[c, pl.ds(r0 + kk * CH, CH)])


def _sc_deg_body(nch, rows, dstp, ones_in, zrows, degp,
                 didx, ones_b, dbuf, deg_sh):
    c = lax.axis_index("c")
    s = lax.axis_index("s")
    r0 = s * rows
    half = nch // 2

    pltpu.sync_copy(zrows, dbuf)
    pltpu.sync_copy(dbuf, deg_sh.at[pl.ds(r0, rows)])
    pltpu.sync_copy(ones_in, ones_b)
    pltpu.sync_copy(dstp.at[pl.ds(s * nch, nch)], didx)
    plsc.subcore_barrier()

    def chunk(j, carry):
        pltpu.sync_copy(ones_b, deg_sh.at[didx.at[c * half + j]], add=True)
        return carry

    lax.fori_loop(0, half, chunk, 0)
    plsc.subcore_barrier()

    pltpu.sync_copy(deg_sh.at[pl.ds(r0, rows)], dbuf)
    pltpu.sync_copy(dbuf, degp.at[c, pl.ds(r0, rows)])


def kernel(inputs, edge_index, W1, b1, W2, b2):
    n, d = inputs.shape
    dh = d // 2
    e = edge_index.shape[1]

    rows = -(-n // (NS * CH)) * CH
    np_ = NS * rows
    nch = -(-e // (NS * CH))
    nch = (nch + 7) // 8 * 8
    e_pad = NS * nch * CH
    nbch = rows // CH

    npad = e_pad - e
    fill_src = jnp.arange(npad, dtype=jnp.int32) % 16
    fill_dst = n + fill_src
    srcp = jnp.concatenate([edge_index[0], fill_src]).reshape(NS * nch, CH)
    dstp = jnp.concatenate([edge_index[1], fill_dst]).reshape(NS * nch, CH)
    zc = jnp.zeros((CH, dh), jnp.float32)
    ones_in = jnp.ones((CH, 16), jnp.float32)
    zrows = jnp.zeros((rows, 16), jnp.float32)
    b1r = b1.reshape(1, d)
    b2r = b2.reshape(1, d)

    BM = 1000
    grid = n // BM
    mm = pl.pallas_call(
        _mm_body, grid=(grid,),
        in_specs=[pl.BlockSpec((BM, d), lambda i: (i, 0)),
                  pl.BlockSpec((d, d), lambda i: (0, 0))],
        out_specs=pl.BlockSpec((NC, BM, dh), lambda i: (0, i, 0)),
        out_shape=jax.ShapeDtypeStruct((NC, n, dh), jnp.float32))

    mid = pl.pallas_call(
        _mid_body, grid=(grid,),
        in_specs=[pl.BlockSpec((NC, BM, dh), lambda i: (0, i, 0)),
                  pl.BlockSpec((NC, BM, dh), lambda i: (0, i, 0)),
                  pl.BlockSpec((NC, BM, 16), lambda i: (0, i, 0)),
                  pl.BlockSpec((d, d), lambda i: (0, 0)),
                  pl.BlockSpec((1, d), lambda i: (0, 0))],
        out_specs=pl.BlockSpec((NC, BM, dh), lambda i: (0, i, 0)),
        out_shape=jax.ShapeDtypeStruct((NC, n, dh), jnp.float32))

    fin = pl.pallas_call(
        _fin_body, grid=(grid,),
        in_specs=[pl.BlockSpec((NC, BM, dh), lambda i: (0, i, 0)),
                  pl.BlockSpec((NC, BM, dh), lambda i: (0, i, 0)),
                  pl.BlockSpec((NC, BM, 16), lambda i: (0, i, 0)),
                  pl.BlockSpec((1, d), lambda i: (0, 0))],
        out_specs=pl.BlockSpec((BM, d), lambda i: (i, 0)),
        out_shape=jax.ShapeDtypeStruct((n, d), jnp.float32))

    mesh = plsc.VectorSubcoreMesh(core_axis_name="c", subcore_axis_name="s",
                                  num_cores=NC, num_subcores=NS)

    def common_scratch():
        return [
            pltpu.VMEM((nch, CH), jnp.int32),
            pltpu.VMEM((nch, CH), jnp.int32),
            pltpu.VMEM((CH, dh), jnp.float32),
            pltpu.VMEM((CH, dh), jnp.float32),
        ]

    sc_params = pltpu.CompilerParams(use_tc_tiling_on_sc=False)
    agg = pl.kernel(
        functools.partial(_sc_agg_body, nch, rows, nbch),
        out_type=jax.ShapeDtypeStruct((NC, np_, dh), jnp.float32),
        mesh=mesh,
        compiler_params=sc_params,
        scratch_types=common_scratch() + [
            pltpu.VMEM_SHARED((np_, dh), jnp.float32),
            pltpu.SemaphoreType.DMA,
            pltpu.SemaphoreType.DMA,
        ])

    deg_kernel = pl.kernel(
        functools.partial(_sc_deg_body, nch, rows),
        out_type=jax.ShapeDtypeStruct((NC, np_, 16), jnp.float32),
        mesh=mesh,
        compiler_params=sc_params,
        scratch_types=[
            pltpu.VMEM((nch, CH), jnp.int32),
            pltpu.VMEM((CH, 16), jnp.float32),
            pltpu.VMEM((rows, 16), jnp.float32),
            pltpu.VMEM_SHARED((np_, 16), jnp.float32),
        ])

    degp = deg_kernel(dstp, ones_in, zrows)
    y1 = mm(inputs, W1)
    y1f = y1.reshape(NC * n, dh)
    aggp1 = agg(srcp, dstp, y1f, zc, degp)
    y2 = mid(aggp1, y1, degp, W2, b1r)
    y2f = y2.reshape(NC * n, dh)
    aggp2 = agg(srcp, dstp, y2f, zc, degp)
    return fin(aggp2, y2, degp, b2r)

# --- scband reference (transcript-rebuilt; emitter-appended) ---
"""Pipeline reference for scband-sage-20237885899316 (READ-ONLY COPY).

The authoritative reference and input builder live on the scoring server;
editing this copy changes nothing except your own understanding.
"""

import jax, jax.numpy as jnp
import numpy as np

N = 10000
E = 320000
D = 128


def setup_inputs(seed: int = 0) -> dict:
    key = jax.random.key(seed)
    k1, k2, k3, k4, k5, k6 = jax.random.split(key, 6)
    x = jax.random.normal(k1, (N, D), dtype=jnp.float32)
    edge_index = jax.random.randint(k2, (2, E), 0, N, dtype=jnp.int32)
    # Layer params (DGL SAGEConv 'gcn': only fc_neigh + bias; no fc_self)
    W1 = jax.random.normal(k3, (D, D), dtype=jnp.float32) * 0.05
    b1 = jnp.zeros((D,), dtype=jnp.float32)
    W2 = jax.random.normal(k4, (D, D), dtype=jnp.float32) * 0.05
    b2 = jnp.zeros((D,), dtype=jnp.float32)
    return {"inputs": x, "edge_index": edge_index, "W1": W1, "b1": b1, "W2": W2, "b2": b2}


def _sage_gcn_layer(x, edge_index, W, b):
    # DGL SAGEConv aggregator_type='gcn':
    #   h_neigh = (sum_{j in N(i)} x_j + x_i) / (deg_i + 1)
    #   out = h_neigh @ W + b
    src = edge_index[0]
    dst = edge_index[1]
    n = x.shape[0]
    agg = jnp.zeros_like(x).at[dst].add(x[src])
    deg = jnp.zeros((n,), dtype=x.dtype).at[dst].add(1.0)
    h_neigh = (agg + x) / (deg[:, None] + 1.0)
    return h_neigh @ W + b


def reference(inputs, edge_index, W1, b1, W2, b2):
    h = _sage_gcn_layer(inputs, edge_index, W1, b1)
    h = jax.nn.relu(h)
    h = _sage_gcn_layer(h, edge_index, W2, b2)
    return h

if __name__ == "__main__":
    import jax
    _d = setup_inputs()
    print(jax.jit(kernel)(*tuple(_d.values())))

</pallas_src>

<mosaic_0001>
#map = affine_map<(d0, d1) -> (0, 0)>
#map1 = affine_map<(d0, d1) -> (0, 0, 0)>
module attributes {stable_mosaic.version = 14 : i64} {
  func.func @_sc_deg_body(%arg0: i32, %arg1: i32, %arg2: memref<2560x128xi32, #tpu.memory_space<hbm>>, %arg3: memref<128x16xf32, #tpu.memory_space<hbm>>, %arg4: memref<640x16xf32, #tpu.memory_space<hbm>>, %arg5: memref<2x10240x16xf32, #tpu.memory_space<hbm>>, %arg6: memref<160x128xi32, #tpu.memory_space<vmem>>, %arg7: memref<128x16xf32, #tpu.memory_space<vmem>>, %arg8: memref<640x16xf32, #tpu.memory_space<vmem>>, %arg9: memref<10240x16xf32, #tpu.memory_space<vmem_shared>>) attributes {dimension_semantics = [#tpu.dimension_semantics<core_parallel>, #tpu.dimension_semantics<subcore_parallel>], iteration_bounds = array<i64: 2, 16>, scalar_prefetch = 0 : i64, scratch_operands = 4 : i64, tpu.core_type = #tpu.core_type<sc_vector_subcore>, window_params = [{transform_indices = #map}, {transform_indices = #map}, {transform_indices = #map}, {transform_indices = #map1}]} {
    %mul3A = arith.constant 640 : i32
    %mul3A_0 = arith.muli %arg1, %mul3A : i32
    "tpu.region"() ({
      %run_scoped3A = tpu.sem_alloc : memref<!tpu.dma_semaphore, #tpu.memory_space<semaphore_mem>>
      tpu.enqueue_dma source(%arg4 : memref<640x16xf32, #tpu.memory_space<hbm>>) target(%arg8 : memref<640x16xf32, #tpu.memory_space<vmem>>) target_semaphore(%run_scoped3A : memref<!tpu.dma_semaphore, #tpu.memory_space<semaphore_mem>>)
      tpu.wait_dma2 semaphore(%run_scoped3A : memref<!tpu.dma_semaphore, #tpu.memory_space<semaphore_mem>>) src(%arg4 : memref<640x16xf32, #tpu.memory_space<hbm>>) dst(%arg8 : memref<640x16xf32, #tpu.memory_space<vmem>>)
      tpu.yield
    }) : () -> ()
    "tpu.region"() ({
      %run_scoped3A = tpu.sem_alloc : memref<!tpu.dma_semaphore, #tpu.memory_space<semaphore_mem>>
      %dma_start3A = arith.constant 0 : i32
      %dma_start3A_9 = tpu.memref_slice %arg9[%mul3A_0, %dma_start3A] : memref<10240x16xf32, #tpu.memory_space<vmem_shared>> -> memref<640x16xf32, #tpu.memory_space<vmem_shared>>
      %dma_start3A_10 = arith.constant 0 : i32
      %dma_start3A_11 = tpu.memref_slice %arg9[%mul3A_0, %dma_start3A_10] : memref<10240x16xf32, #tpu.memory_space<vmem_shared>> -> memref<640x16xf32, #tpu.memory_space<vmem_shared>>
      tpu.enqueue_dma source(%arg8 : memref<640x16xf32, #tpu.memory_space<vmem>>) target(%dma_start3A_11 : memref<640x16xf32, #tpu.memory_space<vmem_shared>>) target_semaphore(%run_scoped3A : memref<!tpu.dma_semaphore, #tpu.memory_space<semaphore_mem>>)
      %dma_wait3A = arith.constant 0 : i32
      %dma_wait3A_12 = tpu.memref_slice %arg9[%mul3A_0, %dma_wait3A] : memref<10240x16xf32, #tpu.memory_space<vmem_shared>> -> memref<640x16xf32, #tpu.memory_space<vmem_shared>>
      %dma_wait3A_13 = arith.constant 0 : i32
      %dma_wait3A_14 = tpu.memref_slice %arg9[%mul3A_0, %dma_wait3A_13] : memref<10240x16xf32, #tpu.memory_space<vmem_shared>> -> memref<640x16xf32, #tpu.memory_space<vmem_shared>>
      tpu.wait_dma2 semaphore(%run_scoped3A : memref<!tpu.dma_semaphore, #tpu.memory_space<semaphore_mem>>) src(%arg8 : memref<640x16xf32, #tpu.memory_space<vmem>>) dst(%dma_wait3A_14 : memref<640x16xf32, #tpu.memory_space<vmem_shared>>)
      tpu.yield
    }) : () -> ()
    "tpu.region"() ({
      %run_scoped3A = tpu.sem_alloc : memref<!tpu.dma_semaphore, #tpu.memory_space<semaphore_mem>>
      tpu.enqueue_dma source(%arg3 : memref<128x16xf32, #tpu.memory_space<hbm>>) target(%arg7 : memref<128x16xf32, #tpu.memory_space<vmem>>) target_semaphore(%run_scoped3A : memref<!tpu.dma_semaphore, #tpu.memory_space<semaphore_mem>>)
      tpu.wait_dma2 semaphore(%run_scoped3A : memref<!tpu.dma_semaphore, #tpu.memory_space<semaphore_mem>>) src(%arg3 : memref<128x16xf32, #tpu.memory_space<hbm>>) dst(%arg7 : memref<128x16xf32, #tpu.memory_space<vmem>>)
      tpu.yield
    }) : () -> ()
    %mul3A_1 = arith.constant 160 : i32
    %mul3A_2 = arith.muli %arg1, %mul3A_1 : i32
    "tpu.region"() ({
      %run_scoped3A = tpu.sem_alloc : memref<!tpu.dma_semaphore, #tpu.memory_space<semaphore_mem>>
      %dma_start3A = arith.constant 0 : i32
      %dma_start3A_9 = tpu.memref_slice %arg2[%mul3A_2, %dma_start3A] : memref<2560x128xi32, #tpu.memory_space<hbm>> -> memref<160x128xi32, #tpu.memory_space<hbm>>
      %dma_start3A_10 = arith.constant 0 : i32
      %dma_start3A_11 = tpu.memref_slice %arg2[%mul3A_2, %dma_start3A_10] : memref<2560x128xi32, #tpu.memory_space<hbm>> -> memref<160x128xi32, #tpu.memory_space<hbm>>
      tpu.enqueue_dma source(%dma_start3A_11 : memref<160x128xi32, #tpu.memory_space<hbm>>) target(%arg6 : memref<160x128xi32, #tpu.memory_space<vmem>>) target_semaphore(%run_scoped3A : memref<!tpu.dma_semaphore, #tpu.memory_space<semaphore_mem>>)
      %dma_wait3A = arith.constant 0 : i32
      %dma_wait3A_12 = tpu.memref_slice %arg2[%mul3A_2, %dma_wait3A] : memref<2560x128xi32, #tpu.memory_space<hbm>> -> memref<160x128xi32, #tpu.memory_space<hbm>>
      %dma_wait3A_13 = arith.constant 0 : i32
      %dma_wait3A_14 = tpu.memref_slice %arg2[%mul3A_2, %dma_wait3A_13] : memref<2560x128xi32, #tpu.memory_space<hbm>> -> memref<160x128xi32, #tpu.memory_space<hbm>>
      tpu.wait_dma2 semaphore(%run_scoped3A : memref<!tpu.dma_semaphore, #tpu.memory_space<semaphore_mem>>) src(%dma_wait3A_14 : memref<160x128xi32, #tpu.memory_space<hbm>>) dst(%arg6 : memref<160x128xi32, #tpu.memory_space<vmem>>)
      tpu.yield
    }) : () -> ()
    %barrier3A = arith.constant 0 : index
    tpu.barrier barrier_id(%barrier3A)
    %scan3A = arith.constant 0 : i32
    %scan3A_3 = arith.constant 0 : i32
    %scan3A_4 = arith.constant 80 : i32
    %scan3A_5 = arith.addi %scan3A_3, %scan3A_4 : i32
    %scan3A_6 = arith.constant 1 : i32
    scf.for %scan3A_9 = %scan3A_3 to %scan3A_5 step %scan3A_6  : i32 {
      %mul3A_10 = arith.constant 80 : i32
      %mul3A_11 = arith.muli %arg0, %mul3A_10 : i32
      %add3A = arith.addi %mul3A_11, %scan3A_9 : i32
      "tpu.region"() ({
        %run_scoped3A = tpu.sem_alloc : memref<!tpu.dma_semaphore, #tpu.memory_space<semaphore_mem>>
        %dma_start3A = arith.constant 0 : i32
        %dma_start3A_12 = tpu.memref_slice %arg6[%add3A, %dma_start3A] : memref<160x128xi32, #tpu.memory_space<vmem>> -> memref<1x128xi32, #tpu.memory_space<vmem>>
        %dma_start3A_13 = tpu.memref_squeeze %dma_start3A_12 : memref<1x128xi32, #tpu.memory_space<vmem>> -> memref<128xi32, #tpu.memory_space<vmem>>
        %dma_start3A_14 = arith.constant 0 : i32
        %dma_start3A_15 = arith.constant 0 : i32
        %dma_start3A_16 = tpu.memref_slice %arg9[%dma_start3A_14, %dma_start3A_15] : memref<10240x16xf32, #tpu.memory_space<vmem_shared>> -> memref<10240x16xf32, #tpu.memory_space<vmem_shared>>
        tpu.enqueue_indirect_dma source(%arg7 : memref<128x16xf32, #tpu.memory_space<vmem>>) target(%dma_start3A_16 : memref<10240x16xf32, #tpu.memory_space<vmem_shared>>) offsets(%dma_start3A_13 : memref<128xi32, #tpu.memory_space<vmem>>) semaphore(%run_scoped3A : memref<!tpu.dma_semaphore, #tpu.memory_space<semaphore_mem>>) {add = true}
        %dma_wait3A = arith.constant 0 : i32
        %dma_wait3A_17 = tpu.memref_slice %arg6[%add3A, %dma_wait3A] : memref<160x128xi32, #tpu.memory_space<vmem>> -> memref<1x128xi32, #tpu.memory_space<vmem>>
        %dma_wait3A_18 = tpu.memref_squeeze %dma_wait3A_17 : memref<1x128xi32, #tpu.memory_space<vmem>> -> memref<128xi32, #tpu.memory_space<vmem>>
        %dma_wait3A_19 = arith.constant 0 : i32
        %dma_wait3A_20 = arith.constant 0 : i32
        %dma_wait3A_21 = tpu.memref_slice %arg9[%dma_wait3A_19, %dma_wait3A_20] : memref<10240x16xf32, #tpu.memory_space<vmem_shared>> -> memref<10240x16xf32, #tpu.memory_space<vmem_shared>>
        tpu.wait_indirect_dma semaphore(%run_scoped3A : memref<!tpu.dma_semaphore, #tpu.memory_space<semaphore_mem>>) src(%arg7 : memref<128x16xf32, #tpu.memory_space<vmem>>) dst(%dma_wait3A_21 : memref<10240x16xf32, #tpu.memory_space<vmem_shared>>)
        tpu.yield
      }) : () -> ()
    }
    %scan3A_7 = arith.constant 80 : i32
    %barrier3A_8 = arith.constant 0 : index
    tpu.barrier barrier_id(%barrier3A_8)
    "tpu.region"() ({
      %run_scoped3A = tpu.sem_alloc : memref<!tpu.dma_semaphore, #tpu.memory_space<semaphore_mem>>
      %dma_start3A = arith.constant 0 : i32
      %dma_start3A_9 = tpu.memref_slice %arg9[%mul3A_0, %dma_start3A] : memref<10240x16xf32, #tpu.memory_space<vmem_shared>> -> memref<640x16xf32, #tpu.memory_space<vmem_shared>>
      %dma_start3A_10 = arith.constant 0 : i32
      %dma_start3A_11 = tpu.memref_slice %arg9[%mul3A_0, %dma_start3A_10] : memref<10240x16xf32, #tpu.memory_space<vmem_shared>> -> memref<640x16xf32, #tpu.memory_space<vmem_shared>>
      tpu.enqueue_dma source(%dma_start3A_11 : memref<640x16xf32, #tpu.memory_space<vmem_shared>>) target(%arg8 : memref<640x16xf32, #tpu.memory_space<vmem>>) target_semaphore(%run_scoped3A : memref<!tpu.dma_semaphore, #tpu.memory_space<semaphore_mem>>)
      %dma_wait3A = arith.constant 0 : i32
      %dma_wait3A_12 = tpu.memref_slice %arg9[%mul3A_0, %dma_wait3A] : memref<10240x16xf32, #tpu.memory_space<vmem_shared>> -> memref<640x16xf32, #tpu.memory_space<vmem_shared>>
      %dma_wait3A_13 = arith.constant 0 : i32
      %dma_wait3A_14 = tpu.memref_slice %arg9[%mul3A_0, %dma_wait3A_13] : memref<10240x16xf32, #tpu.memory_space<vmem_shared>> -> memref<640x16xf32, #tpu.memory_space<vmem_shared>>
      tpu.wait_dma2 semaphore(%run_scoped3A : memref<!tpu.dma_semaphore, #tpu.memory_space<semaphore_mem>>) src(%dma_wait3A_14 : memref<640x16xf32, #tpu.memory_space<vmem_shared>>) dst(%arg8 : memref<640x16xf32, #tpu.memory_space<vmem>>)
      tpu.yield
    }) : () -> ()
    "tpu.region"() ({
      %run_scoped3A = tpu.sem_alloc : memref<!tpu.dma_semaphore, #tpu.memory_space<semaphore_mem>>
      %dma_start3A = arith.constant 0 : i32
      %dma_start3A_9 = tpu.memref_slice %arg5[%arg0, %mul3A_0, %dma_start3A] : memref<2x10240x16xf32, #tpu.memory_space<hbm>> -> memref<1x640x16xf32, #tpu.memory_space<hbm>>
      %dma_start3A_10 = tpu.memref_squeeze %dma_start3A_9 : memref<1x640x16xf32, #tpu.memory_space<hbm>> -> memref<640x16xf32, #tpu.memory_space<hbm>>
      %dma_start3A_11 = arith.constant 0 : i32
      %dma_start3A_12 = tpu.memref_slice %arg5[%arg0, %mul3A_0, %dma_start3A_11] : memref<2x10240x16xf32, #tpu.memory_space<hbm>> -> memref<1x640x16xf32, #tpu.memory_space<hbm>>
      %dma_start3A_13 = tpu.memref_squeeze %dma_start3A_12 : memref<1x640x16xf32, #tpu.memory_space<hbm>> -> memref<640x16xf32, #tpu.memory_space<hbm>>
      tpu.enqueue_dma source(%arg8 : memref<640x16xf32, #tpu.memory_space<vmem>>) target(%dma_start3A_13 : memref<640x16xf32, #tpu.memory_space<hbm>>) target_semaphore(%run_scoped3A : memref<!tpu.dma_semaphore, #tpu.memory_space<semaphore_mem>>)
      %dma_wait3A = arith.constant 0 : i32
      %dma_wait3A_14 = tpu.memref_slice %arg5[%arg0, %mul3A_0, %dma_wait3A] : memref<2x10240x16xf32, #tpu.memory_space<hbm>> -> memref<1x640x16xf32, #tpu.memory_space<hbm>>
      %dma_wait3A_15 = tpu.memref_squeeze %dma_wait3A_14 : memref<1x640x16xf32, #tpu.memory_space<hbm>> -> memref<640x16xf32, #tpu.memory_space<hbm>>
      %dma_wait3A_16 = arith.constant 0 : i32
      %dma_wait3A_17 = tpu.memref_slice %arg5[%arg0, %mul3A_0, %dma_wait3A_16] : memref<2x10240x16xf32, #tpu.memory_space<hbm>> -> memref<1x640x16xf32, #tpu.memory_space<hbm>>
      %dma_wait3A_18 = tpu.memref_squeeze %dma_wait3A_17 : memref<1x640x16xf32, #tpu.memory_space<hbm>> -> memref<640x16xf32, #tpu.memory_space<hbm>>
      tpu.wait_dma2 semaphore(%run_scoped3A : memref<!tpu.dma_semaphore, #tpu.memory_space<semaphore_mem>>) src(%arg8 : memref<640x16xf32, #tpu.memory_space<vmem>>) dst(%dma_wait3A_18 : memref<640x16xf32, #tpu.memory_space<hbm>>)
      tpu.yield
    }) : () -> ()
    return
  }
}

#map = affine_map<(d0, d1) -> (0, 0)>
#map1 = affine_map<(d0, d1) -> (0, 0, 0)>
module attributes {stable_mosaic.version = 14 : i64} {
  func.func @_sc_agg_body(%arg0: i32, %arg1: i32, %arg2: memref<2560x128xi32, #tpu.memory_space<hbm>>, %arg3: memref<2560x128xi32, #tpu.memory_space<hbm>>, %arg4: memref<20000x64xf32, #tpu.memory_space<hbm>>, %arg5: memref<128x64xf32, #tpu.memory_space<hbm>>, %arg6: memref<2x10240x16xf32, #tpu.memory_space<hbm>>, %arg7: memref<2x10240x64xf32, #tpu.memory_space<hbm>>, %arg8: memref<160x128xi32, #tpu.memory_space<vmem>>, %arg9: memref<160x128xi32, #tpu.memory_space<vmem>>, %arg10: memref<128x64xf32, #tpu.memory_space<vmem>>, %arg11: memref<128x64xf32, #tpu.memory_space<vmem>>, %arg12: memref<10240x64xf32, #tpu.memory_space<vmem_shared>>, %arg13: memref<!tpu.dma_semaphore, #tpu.memory_space<semaphore_mem>>, %arg14: memref<!tpu.dma_semaphore, #tpu.memory_space<semaphore_mem>>) attributes {dimension_semantics = [#tpu.dimension_semantics<core_parallel>, #tpu.dimension_semantics<subcore_parallel>], iteration_bounds = array<i64: 2, 16>, scalar_prefetch = 0 : i64, scratch_operands = 7 : i64, tpu.core_type = #tpu.core_type<sc_vector_subcore>, window_params = [{transform_indices = #map}, {transform_indices = #map}, {transform_indices = #map}, {transform_indices = #map}, {transform_indices = #map1}, {transform_indices = #map1}]} {
    %mul3A = arith.constant 640 : i32
    %mul3A_0 = arith.muli %arg1, %mul3A : i32
    "tpu.region"() ({
      %run_scoped3A = tpu.sem_alloc : memref<!tpu.dma_semaphore, #tpu.memory_space<semaphore_mem>>
      tpu.enqueue_dma source(%arg5 : memref<128x64xf32, #tpu.memory_space<hbm>>) target(%arg10 : memref<128x64xf32, #tpu.memory_space<vmem>>) target_semaphore(%run_scoped3A : memref<!tpu.dma_semaphore, #tpu.memory_space<semaphore_mem>>)
      tpu.wait_dma2 semaphore(%run_scoped3A : memref<!tpu.dma_semaphore, #tpu.memory_space<semaphore_mem>>) src(%arg5 : memref<128x64xf32, #tpu.memory_space<hbm>>) dst(%arg10 : memref<128x64xf32, #tpu.memory_space<vmem>>)
      tpu.yield
    }) : () -> ()
    %add3A = arith.constant 0 : i32
    %add3A_1 = arith.addi %mul3A_0, %add3A : i32
    "tpu.region"() ({
      %run_scoped3A = tpu.sem_alloc : memref<!tpu.dma_semaphore, #tpu.memory_space<semaphore_mem>>
      %dma_start3A_50 = arith.constant 0 : i32
      %dma_start3A_51 = tpu.memref_slice %arg12[%add3A_1, %dma_start3A_50] : memref<10240x64xf32, #tpu.memory_space<vmem_shared>> -> memref<128x64xf32, #tpu.memory_space<vmem_shared>>
      %dma_start3A_52 = arith.constant 0 : i32
      %dma_start3A_53 = tpu.memref_slice %arg12[%add3A_1, %dma_start3A_52] : memref<10240x64xf32, #tpu.memory_space<vmem_shared>> -> memref<128x64xf32, #tpu.memory_space<vmem_shared>>
      tpu.enqueue_dma source(%arg10 : memref<128x64xf32, #tpu.memory_space<vmem>>) target(%dma_start3A_53 : memref<128x64xf32, #tpu.memory_space<vmem_shared>>) target_semaphore(%run_scoped3A : memref<!tpu.dma_semaphore, #tpu.memory_space<semaphore_mem>>)
      %dma_wait3A = arith.constant 0 : i32
      %dma_wait3A_54 = tpu.memref_slice %arg12[%add3A_1, %dma_wait3A] : memref<10240x64xf32, #tpu.memory_space<vmem_shared>> -> memref<128x64xf32, #tpu.memory_space<vmem_shared>>
      %dma_wait3A_55 = arith.constant 0 : i32
      %dma_wait3A_56 = tpu.memref_slice %arg12[%add3A_1, %dma_wait3A_55] : memref<10240x64xf32, #tpu.memory_space<vmem_shared>> -> memref<128x64xf32, #tpu.memory_space<vmem_shared>>
      tpu.wait_dma2 semaphore(%run_scoped3A : memref<!tpu.dma_semaphore, #tpu.memory_space<semaphore_mem>>) src(%arg10 : memref<128x64xf32, #tpu.memory_space<vmem>>) dst(%dma_wait3A_56 : memref<128x64xf32, #tpu.memory_space<vmem_shared>>)
      tpu.yield
    }) : () -> ()
    %add3A_2 = arith.constant 128 : i32
    %add3A_3 = arith.addi %mul3A_0, %add3A_2 : i32
    "tpu.region"() ({
      %run_scoped3A = tpu.sem_alloc : memref<!tpu.dma_semaphore, #tpu.memory_space<semaphore_mem>>
      %dma_start3A_50 = arith.constant 0 : i32
      %dma_start3A_51 = tpu.memref_slice %arg12[%add3A_3, %dma_start3A_50] : memref<10240x64xf32, #tpu.memory_space<vmem_shared>> -> memref<128x64xf32, #tpu.memory_space<vmem_shared>>
      %dma_start3A_52 = arith.constant 0 : i32
      %dma_start3A_53 = tpu.memref_slice %arg12[%add3A_3, %dma_start3A_52] : memref<10240x64xf32, #tpu.memory_space<vmem_shared>> -> memref<128x64xf32, #tpu.memory_space<vmem_shared>>
      tpu.enqueue_dma source(%arg10 : memref<128x64xf32, #tpu.memory_space<vmem>>) target(%dma_start3A_53 : memref<128x64xf32, #tpu.memory_space<vmem_shared>>) target_semaphore(%run_scoped3A : memref<!tpu.dma_semaphore, #tpu.memory_space<semaphore_mem>>)
      %dma_wait3A = arith.constant 0 : i32
      %dma_wait3A_54 = tpu.memref_slice %arg12[%add3A_3, %dma_wait3A] : memref<10240x64xf32, #tpu.memory_space<vmem_shared>> -> memref<128x64xf32, #tpu.memory_space<vmem_shared>>
      %dma_wait3A_55 = arith.constant 0 : i32
      %dma_wait3A_56 = tpu.memref_slice %arg12[%add3A_3, %dma_wait3A_55] : memref<10240x64xf32, #tpu.memory_space<vmem_shared>> -> memref<128x64xf32, #tpu.memory_space<vmem_shared>>
      tpu.wait_dma2 semaphore(%run_scoped3A : memref<!tpu.dma_semaphore, #tpu.memory_space<semaphore_mem>>) src(%arg10 : memref<128x64xf32, #tpu.memory_space<vmem>>) dst(%dma_wait3A_56 : memref<128x64xf32, #tpu.memory_space<vmem_shared>>)
      tpu.yield
    }) : () -> ()
    %add3A_4 = arith.constant 256 : i32
    %add3A_5 = arith.addi %mul3A_0, %add3A_4 : i32
    "tpu.region"() ({
      %run_scoped3A = tpu.sem_alloc : memref<!tpu.dma_semaphore, #tpu.memory_space<semaphore_mem>>
      %dma_start3A_50 = arith.constant 0 : i32
      %dma_start3A_51 = tpu.memref_slice %arg12[%add3A_5, %dma_start3A_50] : memref<10240x64xf32, #tpu.memory_space<vmem_shared>> -> memref<128x64xf32, #tpu.memory_space<vmem_shared>>
      %dma_start3A_52 = arith.constant 0 : i32
      %dma_start3A_53 = tpu.memref_slice %arg12[%add3A_5, %dma_start3A_52] : memref<10240x64xf32, #tpu.memory_space<vmem_shared>> -> memref<128x64xf32, #tpu.memory_space<vmem_shared>>
      tpu.enqueue_dma source(%arg10 : memref<128x64xf32, #tpu.memory_space<vmem>>) target(%dma_start3A_53 : memref<128x64xf32, #tpu.memory_space<vmem_shared>>) target_semaphore(%run_scoped3A : memref<!tpu.dma_semaphore, #tpu.memory_space<semaphore_mem>>)
      %dma_wait3A = arith.constant 0 : i32
      %dma_wait3A_54 = tpu.memref_slice %arg12[%add3A_5, %dma_wait3A] : memref<10240x64xf32, #tpu.memory_space<vmem_shared>> -> memref<128x64xf32, #tpu.memory_space<vmem_shared>>
      %dma_wait3A_55 = arith.constant 0 : i32
      %dma_wait3A_56 = tpu.memref_slice %arg12[%add3A_5, %dma_wait3A_55] : memref<10240x64xf32, #tpu.memory_space<vmem_shared>> -> memref<128x64xf32, #tpu.memory_space<vmem_shared>>
      tpu.wait_dma2 semaphore(%run_scoped3A : memref<!tpu.dma_semaphore, #tpu.memory_space<semaphore_mem>>) src(%arg10 : memref<128x64xf32, #tpu.memory_space<vmem>>) dst(%dma_wait3A_56 : memref<128x64xf32, #tpu.memory_space<vmem_shared>>)
      tpu.yield
    }) : () -> ()
    %add3A_6 = arith.constant 384 : i32
    %add3A_7 = arith.addi %mul3A_0, %add3A_6 : i32
    "tpu.region"() ({
      %run_scoped3A = tpu.sem_alloc : memref<!tpu.dma_semaphore, #tpu.memory_space<semaphore_mem>>
      %dma_start3A_50 = arith.constant 0 : i32
      %dma_start3A_51 = tpu.memref_slice %arg12[%add3A_7, %dma_start3A_50] : memref<10240x64xf32, #tpu.memory_space<vmem_shared>> -> memref<128x64xf32, #tpu.memory_space<vmem_shared>>
      %dma_start3A_52 = arith.constant 0 : i32
      %dma_start3A_53 = tpu.memref_slice %arg12[%add3A_7, %dma_start3A_52] : memref<10240x64xf32, #tpu.memory_space<vmem_shared>> -> memref<128x64xf32, #tpu.memory_space<vmem_shared>>
      tpu.enqueue_dma source(%arg10 : memref<128x64xf32, #tpu.memory_space<vmem>>) target(%dma_start3A_53 : memref<128x64xf32, #tpu.memory_space<vmem_shared>>) target_semaphore(%run_scoped3A : memref<!tpu.dma_semaphore, #tpu.memory_space<semaphore_mem>>)
      %dma_wait3A = arith.constant 0 : i32
      %dma_wait3A_54 = tpu.memref_slice %arg12[%add3A_7, %dma_wait3A] : memref<10240x64xf32, #tpu.memory_space<vmem_shared>> -> memref<128x64xf32, #tpu.memory_space<vmem_shared>>
      %dma_wait3A_55 = arith.constant 0 : i32
      %dma_wait3A_56 = tpu.memref_slice %arg12[%add3A_7, %dma_wait3A_55] : memref<10240x64xf32, #tpu.memory_space<vmem_shared>> -> memref<128x64xf32, #tpu.memory_space<vmem_shared>>
      tpu.wait_dma2 semaphore(%run_scoped3A : memref<!tpu.dma_semaphore, #tpu.memory_space<semaphore_mem>>) src(%arg10 : memref<128x64xf32, #tpu.memory_space<vmem>>) dst(%dma_wait3A_56 : memref<128x64xf32, #tpu.memory_space<vmem_shared>>)
      tpu.yield
    }) : () -> ()
    %add3A_8 = arith.constant 512 : i32
    %add3A_9 = arith.addi %mul3A_0, %add3A_8 : i32
    "tpu.region"() ({
      %run_scoped3A = tpu.sem_alloc : memref<!tpu.dma_semaphore, #tpu.memory_space<semaphore_mem>>
      %dma_start3A_50 = arith.constant 0 : i32
      %dma_start3A_51 = tpu.memref_slice %arg12[%add3A_9, %dma_start3A_50] : memref<10240x64xf32, #tpu.memory_space<vmem_shared>> -> memref<128x64xf32, #tpu.memory_space<vmem_shared>>
      %dma_start3A_52 = arith.constant 0 : i32
      %dma_start3A_53 = tpu.memref_slice %arg12[%add3A_9, %dma_start3A_52] : memref<10240x64xf32, #tpu.memory_space<vmem_shared>> -> memref<128x64xf32, #tpu.memory_space<vmem_shared>>
      tpu.enqueue_dma source(%arg10 : memref<128x64xf32, #tpu.memory_space<vmem>>) target(%dma_start3A_53 : memref<128x64xf32, #tpu.memory_space<vmem_shared>>) target_semaphore(%run_scoped3A : memref<!tpu.dma_semaphore, #tpu.memory_space<semaphore_mem>>)
      %dma_wait3A = arith.constant 0 : i32
      %dma_wait3A_54 = tpu.memref_slice %arg12[%add3A_9, %dma_wait3A] : memref<10240x64xf32, #tpu.memory_space<vmem_shared>> -> memref<128x64xf32, #tpu.memory_space<vmem_shared>>
      %dma_wait3A_55 = arith.constant 0 : i32
      %dma_wait3A_56 = tpu.memref_slice %arg12[%add3A_9, %dma_wait3A_55] : memref<10240x64xf32, #tpu.memory_space<vmem_shared>> -> memref<128x64xf32, #tpu.memory_space<vmem_shared>>
      tpu.wait_dma2 semaphore(%run_scoped3A : memref<!tpu.dma_semaphore, #tpu.memory_space<semaphore_mem>>) src(%arg10 : memref<128x64xf32, #tpu.memory_space<vmem>>) dst(%dma_wait3A_56 : memref<128x64xf32, #tpu.memory_space<vmem_shared>>)
      tpu.yield
    }) : () -> ()
    %mul3A_10 = arith.constant 160 : i32
    %mul3A_11 = arith.muli %arg1, %mul3A_10 : i32
    "tpu.region"() ({
      %run_scoped3A = tpu.sem_alloc : memref<!tpu.dma_semaphore, #tpu.memory_space<semaphore_mem>>
      %dma_start3A_50 = arith.constant 0 : i32
      %dma_start3A_51 = tpu.memref_slice %arg2[%mul3A_11, %dma_start3A_50] : memref<2560x128xi32, #tpu.memory_space<hbm>> -> memref<160x128xi32, #tpu.memory_space<hbm>>
      %dma_start3A_52 = arith.constant 0 : i32
      %dma_start3A_53 = tpu.memref_slice %arg2[%mul3A_11, %dma_start3A_52] : memref<2560x128xi32, #tpu.memory_space<hbm>> -> memref<160x128xi32, #tpu.memory_space<hbm>>
      tpu.enqueue_dma source(%dma_start3A_53 : memref<160x128xi32, #tpu.memory_space<hbm>>) target(%arg8 : memref<160x128xi32, #tpu.memory_space<vmem>>) target_semaphore(%run_scoped3A : memref<!tpu.dma_semaphore, #tpu.memory_space<semaphore_mem>>)
      %dma_wait3A = arith.constant 0 : i32
      %dma_wait3A_54 = tpu.memref_slice %arg2[%mul3A_11, %dma_wait3A] : memref<2560x128xi32, #tpu.memory_space<hbm>> -> memref<160x128xi32, #tpu.memory_space<hbm>>
      %dma_wait3A_55 = arith.constant 0 : i32
      %dma_wait3A_56 = tpu.memref_slice %arg2[%mul3A_11, %dma_wait3A_55] : memref<2560x128xi32, #tpu.memory_space<hbm>> -> memref<160x128xi32, #tpu.memory_space<hbm>>
      tpu.wait_dma2 semaphore(%run_scoped3A : memref<!tpu.dma_semaphore, #tpu.memory_space<semaphore_mem>>) src(%dma_wait3A_56 : memref<160x128xi32, #tpu.memory_space<hbm>>) dst(%arg8 : memref<160x128xi32, #tpu.memory_space<vmem>>)
      tpu.yield
    }) : () -> ()
    %mul3A_12 = arith.constant 160 : i32
    %mul3A_13 = arith.muli %arg1, %mul3A_12 : i32
    "tpu.region"() ({
      %run_scoped3A = tpu.sem_alloc : memref<!tpu.dma_semaphore, #tpu.memory_space<semaphore_mem>>
      %dma_start3A_50 = arith.constant 0 : i32
      %dma_start3A_51 = tpu.memref_slice %arg3[%mul3A_13, %dma_start3A_50] : memref<2560x128xi32, #tpu.memory_space<hbm>> -> memref<160x128xi32, #tpu.memory_space<hbm>>
      %dma_start3A_52 = arith.constant 0 : i32
      %dma_start3A_53 = tpu.memref_slice %arg3[%mul3A_13, %dma_start3A_52] : memref<2560x128xi32, #tpu.memory_space<hbm>> -> memref<160x128xi32, #tpu.memory_space<hbm>>
      tpu.enqueue_dma source(%dma_start3A_53 : memref<160x128xi32, #tpu.memory_space<hbm>>) target(%arg9 : memref<160x128xi32, #tpu.memory_space<vmem>>) target_semaphore(%run_scoped3A : memref<!tpu.dma_semaphore, #tpu.memory_space<semaphore_mem>>)
      %dma_wait3A = arith.constant 0 : i32
      %dma_wait3A_54 = tpu.memref_slice %arg3[%mul3A_13, %dma_wait3A] : memref<2560x128xi32, #tpu.memory_space<hbm>> -> memref<160x128xi32, #tpu.memory_space<hbm>>
      %dma_wait3A_55 = arith.constant 0 : i32
      %dma_wait3A_56 = tpu.memref_slice %arg3[%mul3A_13, %dma_wait3A_55] : memref<2560x128xi32, #tpu.memory_space<hbm>> -> memref<160x128xi32, #tpu.memory_space<hbm>>
      tpu.wait_dma2 semaphore(%run_scoped3A : memref<!tpu.dma_semaphore, #tpu.memory_space<semaphore_mem>>) src(%dma_wait3A_56 : memref<160x128xi32, #tpu.memory_space<hbm>>) dst(%arg9 : memref<160x128xi32, #tpu.memory_space<vmem>>)
      tpu.yield
    }) : () -> ()
    %barrier3A = arith.constant 0 : index
    tpu.barrier barrier_id(%barrier3A)
    %mul3A_14 = arith.constant 10000 : i32
    %mul3A_15 = arith.muli %arg0, %mul3A_14 : i32
    %dma_start3A = arith.constant 0 : i32
    %dma_start3A_16 = arith.constant 0 : i32
    %dma_start3A_17 = tpu.memref_slice %arg8[%dma_start3A, %dma_start3A_16] : memref<160x128xi32, #tpu.memory_space<vmem>> -> memref<1x128xi32, #tpu.memory_space<vmem>>
    %dma_start3A_18 = tpu.memref_squeeze %dma_start3A_17 : memref<1x128xi32, #tpu.memory_space<vmem>> -> memref<128xi32, #tpu.memory_space<vmem>>
    %dma_start3A_19 = arith.constant 0 : i32
    %dma_start3A_20 = tpu.memref_slice %arg4[%mul3A_15, %dma_start3A_19] : memref<20000x64xf32, #tpu.memory_space<hbm>> -> memref<10000x64xf32, #tpu.memory_space<hbm>>
    %dma_start3A_21 = arith.constant 0 : i32
    %dma_start3A_22 = arith.constant 0 : i32
    %dma_start3A_23 = tpu.memref_slice %dma_start3A_20[%dma_start3A_21, %dma_start3A_22] : memref<10000x64xf32, #tpu.memory_space<hbm>> -> memref<10000x64xf32, #tpu.memory_space<hbm>>
    tpu.enqueue_indirect_dma source(%dma_start3A_23 : memref<10000x64xf32, #tpu.memory_space<hbm>>) target(%arg10 : memref<128x64xf32, #tpu.memory_space<vmem>>) offsets(%dma_start3A_18 : memref<128xi32, #tpu.memory_space<vmem>>) semaphore(%arg13 : memref<!tpu.dma_semaphore, #tpu.memory_space<semaphore_mem>>)
    %scan3A = arith.constant 0 : i32
    %scan3A_24 = arith.constant 0 : i32
    %scan3A_25 = arith.constant 80 : i32
    %scan3A_26 = arith.addi %scan3A_24, %scan3A_25 : i32
    %scan3A_27 = arith.constant 1 : i32
    scf.for %scan3A_50 = %scan3A_24 to %scan3A_26 step %scan3A_27  : i32 {
      %mul3A_51 = arith.constant 2 : i32
      %mul3A_52 = arith.muli %mul3A_51, %scan3A_50 : i32
      %add3A_53 = arith.constant 1 : i32
      %add3A_54 = arith.addi %mul3A_52, %add3A_53 : i32
      %dma_start3A_55 = arith.constant 0 : i32
      %dma_start3A_56 = tpu.memref_slice %arg8[%add3A_54, %dma_start3A_55] : memref<160x128xi32, #tpu.memory_space<vmem>> -> memref<1x128xi32, #tpu.memory_space<vmem>>
      %dma_start3A_57 = tpu.memref_squeeze %dma_start3A_56 : memref<1x128xi32, #tpu.memory_space<vmem>> -> memref<128xi32, #tpu.memory_space<vmem>>
      %dma_start3A_58 = arith.constant 0 : i32
      %dma_start3A_59 = tpu.memref_slice %arg4[%mul3A_15, %dma_start3A_58] : memref<20000x64xf32, #tpu.memory_space<hbm>> -> memref<10000x64xf32, #tpu.memory_space<hbm>>
      %dma_start3A_60 = arith.constant 0 : i32
      %dma_start3A_61 = arith.constant 0 : i32
      %dma_start3A_62 = tpu.memref_slice %dma_start3A_59[%dma_start3A_60, %dma_start3A_61] : memref<10000x64xf32, #tpu.memory_space<hbm>> -> memref<10000x64xf32, #tpu.memory_space<hbm>>
      tpu.enqueue_indirect_dma source(%dma_start3A_62 : memref<10000x64xf32, #tpu.memory_space<hbm>>) target(%arg11 : memref<128x64xf32, #tpu.memory_space<vmem>>) offsets(%dma_start3A_57 : memref<128xi32, #tpu.memory_space<vmem>>) semaphore(%arg14 : memref<!tpu.dma_semaphore, #tpu.memory_space<semaphore_mem>>)
      %dma_wait3A = arith.constant 0 : i32
      %dma_wait3A_63 = tpu.memref_slice %arg8[%mul3A_52, %dma_wait3A] : memref<160x128xi32, #tpu.memory_space<vmem>> -> memref<1x128xi32, #tpu.memory_space<vmem>>
      %dma_wait3A_64 = tpu.memref_squeeze %dma_wait3A_63 : memref<1x128xi32, #tpu.memory_space<vmem>> -> memref<128xi32, #tpu.memory_space<vmem>>
      %dma_wait3A_65 = arith.constant 0 : i32
      %dma_wait3A_66 = tpu.memref_slice %arg4[%mul3A_15, %dma_wait3A_65] : memref<20000x64xf32, #tpu.memory_space<hbm>> -> memref<10000x64xf32, #tpu.memory_space<hbm>>
      %dma_wait3A_67 = arith.constant 0 : i32
      %dma_wait3A_68 = arith.constant 0 : i32
      %dma_wait3A_69 = tpu.memref_slice %dma_wait3A_66[%dma_wait3A_67, %dma_wait3A_68] : memref<10000x64xf32, #tpu.memory_space<hbm>> -> memref<10000x64xf32, #tpu.memory_space<hbm>>
      tpu.wait_indirect_dma semaphore(%arg13 : memref<!tpu.dma_semaphore, #tpu.memory_space<semaphore_mem>>) src(%dma_wait3A_69 : memref<10000x64xf32, #tpu.memory_space<hbm>>) dst(%arg10 : memref<128x64xf32, #tpu.memory_space<vmem>>)
      "tpu.region"() ({
        %run_scoped3A = tpu.sem_alloc : memref<!tpu.dma_semaphore, #tpu.memory_space<semaphore_mem>>
        %dma_start3A_86 = arith.constant 0 : i32
        %dma_start3A_87 = tpu.memref_slice %arg9[%mul3A_52, %dma_start3A_86] : memref<160x128xi32, #tpu.memory_space<vmem>> -> memref<1x128xi32, #tpu.memory_space<vmem>>
        %dma_start3A_88 = tpu.memref_squeeze %dma_start3A_87 : memref<1x128xi32, #tpu.memory_space<vmem>> -> memref<128xi32, #tpu.memory_space<vmem>>
        %dma_start3A_89 = arith.constant 0 : i32
        %dma_start3A_90 = arith.constant 0 : i32
        %dma_start3A_91 = tpu.memref_slice %arg12[%dma_start3A_89, %dma_start3A_90] : memref<10240x64xf32, #tpu.memory_space<vmem_shared>> -> memref<10240x64xf32, #tpu.memory_space<vmem_shared>>
        tpu.enqueue_indirect_dma source(%arg10 : memref<128x64xf32, #tpu.memory_space<vmem>>) target(%dma_start3A_91 : memref<10240x64xf32, #tpu.memory_space<vmem_shared>>) offsets(%dma_start3A_88 : memref<128xi32, #tpu.memory_space<vmem>>) semaphore(%run_scoped3A : memref<!tpu.dma_semaphore, #tpu.memory_space<semaphore_mem>>) {add = true}
        %dma_wait3A_92 = arith.constant 0 : i32
        %dma_wait3A_93 = tpu.memref_slice %arg9[%mul3A_52, %dma_wait3A_92] : memref<160x128xi32, #tpu.memory_space<vmem>> -> memref<1x128xi32, #tpu.memory_space<vmem>>
        %dma_wait3A_94 = tpu.memref_squeeze %dma_wait3A_93 : memref<1x128xi32, #tpu.memory_space<vmem>> -> memref<128xi32, #tpu.memory_space<vmem>>
        %dma_wait3A_95 = arith.constant 0 : i32
        %dma_wait3A_96 = arith.constant 0 : i32
        %dma_wait3A_97 = tpu.memref_slice %arg12[%dma_wait3A_95, %dma_wait3A_96] : memref<10240x64xf32, #tpu.memory_space<vmem_shared>> -> memref<10240x64xf32, #tpu.memory_space<vmem_shared>>
        tpu.wait_indirect_dma semaphore(%run_scoped3A : memref<!tpu.dma_semaphore, #tpu.memory_space<semaphore_mem>>) src(%arg10 : memref<128x64xf32, #tpu.memory_space<vmem>>) dst(%dma_wait3A_97 : memref<10240x64xf32, #tpu.memory_space<vmem_shared>>)
        tpu.yield
      }) : () -> ()
      %add3A_70 = arith.constant 1 : i32
      %add3A_71 = arith.addi %scan3A_50, %add3A_70 : i32
      %lt3A = arith.constant 80 : i32
      %lt3A_72 = arith.cmpi slt, %add3A_71, %lt3A : i32
      %convert_element_type3A = arith.extui %lt3A_72 : i1 to i32
      %cond3A = arith.constant 0 : i32
      %cond3A_73 = arith.cmpi ne, %convert_element_type3A, %cond3A : i32
      scf.if %cond3A_73 {
        %add3A_86 = arith.constant 2 : i32
        %add3A_87 = arith.addi %mul3A_52, %add3A_86 : i32
        %dma_start3A_88 = arith.constant 0 : i32
        %dma_start3A_89 = tpu.memref_slice %arg8[%add3A_87, %dma_start3A_88] : memref<160x128xi32, #tpu.memory_space<vmem>> -> memref<1x128xi32, #tpu.memory_space<vmem>>
        %dma_start3A_90 = tpu.memref_squeeze %dma_start3A_89 : memref<1x128xi32, #tpu.memory_space<vmem>> -> memref<128xi32, #tpu.memory_space<vmem>>
        %dma_start3A_91 = arith.constant 0 : i32
        %dma_start3A_92 = tpu.memref_slice %arg4[%mul3A_15, %dma_start3A_91] : memref<20000x64xf32, #tpu.memory_space<hbm>> -> memref<10000x64xf32, #tpu.memory_space<hbm>>
        %dma_start3A_93 = arith.constant 0 : i32
        %dma_start3A_94 = arith.constant 0 : i32
        %dma_start3A_95 = tpu.memref_slice %dma_start3A_92[%dma_start3A_93, %dma_start3A_94] : memref<10000x64xf32, #tpu.memory_space<hbm>> -> memref<10000x64xf32, #tpu.memory_space<hbm>>
        tpu.enqueue_indirect_dma source(%dma_start3A_95 : memref<10000x64xf32, #tpu.memory_space<hbm>>) target(%arg10 : memref<128x64xf32, #tpu.memory_space<vmem>>) offsets(%dma_start3A_90 : memref<128xi32, #tpu.memory_space<vmem>>) semaphore(%arg13 : memref<!tpu.dma_semaphore, #tpu.memory_space<semaphore_mem>>)
      } else {
      }
      %add3A_74 = arith.constant 1 : i32
      %add3A_75 = arith.addi %mul3A_52, %add3A_74 : i32
      %dma_wait3A_76 = arith.constant 0 : i32
      %dma_wait3A_77 = tpu.memref_slice %arg8[%add3A_75, %dma_wait3A_76] : memref<160x128xi32, #tpu.memory_space<vmem>> -> memref<1x128xi32, #tpu.memory_space<vmem>>
      %dma_wait3A_78 = tpu.memref_squeeze %dma_wait3A_77 : memref<1x128xi32, #tpu.memory_space<vmem>> -> memref<128xi32, #tpu.memory_space<vmem>>
      %dma_wait3A_79 = arith.constant 0 : i32
      %dma_wait3A_80 = tpu.memref_slice %arg4[%mul3A_15, %dma_wait3A_79] : memref<20000x64xf32, #tpu.memory_space<hbm>> -> memref<10000x64xf32, #tpu.memory_space<hbm>>
      %dma_wait3A_81 = arith.constant 0 : i32
      %dma_wait3A_82 = arith.constant 0 : i32
      %dma_wait3A_83 = tpu.memref_slice %dma_wait3A_80[%dma_wait3A_81, %dma_wait3A_82] : memref<10000x64xf32, #tpu.memory_space<hbm>> -> memref<10000x64xf32, #tpu.memory_space<hbm>>
      tpu.wait_indirect_dma semaphore(%arg14 : memref<!tpu.dma_semaphore, #tpu.memory_space<semaphore_mem>>) src(%dma_wait3A_83 : memref<10000x64xf32, #tpu.memory_space<hbm>>) dst(%arg11 : memref<128x64xf32, #tpu.memory_space<vmem>>)
      %add3A_84 = arith.constant 1 : i32
      %add3A_85 = arith.addi %mul3A_52, %add3A_84 : i32
      "tpu.region"() ({
        %run_scoped3A = tpu.sem_alloc : memref<!tpu.dma_semaphore, #tpu.memory_space<semaphore_mem>>
        %dma_start3A_86 = arith.constant 0 : i32
        %dma_start3A_87 = tpu.memref_slice %arg9[%add3A_85, %dma_start3A_86] : memref<160x128xi32, #tpu.memory_space<vmem>> -> memref<1x128xi32, #tpu.memory_space<vmem>>
        %dma_start3A_88 = tpu.memref_squeeze %dma_start3A_87 : memref<1x128xi32, #tpu.memory_space<vmem>> -> memref<128xi32, #tpu.memory_space<vmem>>
        %dma_start3A_89 = arith.constant 0 : i32
        %dma_start3A_90 = arith.constant 0 : i32
        %dma_start3A_91 = tpu.memref_slice %arg12[%dma_start3A_89, %dma_start3A_90] : memref<10240x64xf32, #tpu.memory_space<vmem_shared>> -> memref<10240x64xf32, #tpu.memory_space<vmem_shared>>
        tpu.enqueue_indirect_dma source(%arg11 : memref<128x64xf32, #tpu.memory_space<vmem>>) target(%dma_start3A_91 : memref<10240x64xf32, #tpu.memory_space<vmem_shared>>) offsets(%dma_start3A_88 : memref<128xi32, #tpu.memory_space<vmem>>) semaphore(%run_scoped3A : memref<!tpu.dma_semaphore, #tpu.memory_space<semaphore_mem>>) {add = true}
        %dma_wait3A_92 = arith.constant 0 : i32
        %dma_wait3A_93 = tpu.memref_slice %arg9[%add3A_85, %dma_wait3A_92] : memref<160x128xi32, #tpu.memory_space<vmem>> -> memref<1x128xi32, #tpu.memory_space<vmem>>
        %dma_wait3A_94 = tpu.memref_squeeze %dma_wait3A_93 : memref<1x128xi32, #tpu.memory_space<vmem>> -> memref<128xi32, #tpu.memory_space<vmem>>
        %dma_wait3A_95 = arith.constant 0 : i32
        %dma_wait3A_96 = arith.constant 0 : i32
        %dma_wait3A_97 = tpu.memref_slice %arg12[%dma_wait3A_95, %dma_wait3A_96] : memref<10240x64xf32, #tpu.memory_space<vmem_shared>> -> memref<10240x64xf32, #tpu.memory_space<vmem_shared>>
        tpu.wait_indirect_dma semaphore(%run_scoped3A : memref<!tpu.dma_semaphore, #tpu.memory_space<semaphore_mem>>) src(%arg11 : memref<128x64xf32, #tpu.memory_space<vmem>>) dst(%dma_wait3A_97 : memref<10240x64xf32, #tpu.memory_space<vmem_shared>>)
        tpu.yield
      }) : () -> ()
    }
    %scan3A_28 = arith.constant 80 : i32
    %barrier3A_29 = arith.constant 0 : index
    tpu.barrier barrier_id(%barrier3A_29)
    %add3A_30 = arith.constant 0 : i32
    %add3A_31 = arith.addi %mul3A_0, %add3A_30 : i32
    "tpu.region"() ({
      %run_scoped3A = tpu.sem_alloc : memref<!tpu.dma_semaphore, #tpu.memory_space<semaphore_mem>>
      %dma_start3A_50 = arith.constant 0 : i32
      %dma_start3A_51 = tpu.memref_slice %arg12[%add3A_31, %dma_start3A_50] : memref<10240x64xf32, #tpu.memory_space<vmem_shared>> -> memref<128x64xf32, #tpu.memory_space<vmem_shared>>
      %dma_start3A_52 = arith.constant 0 : i32
      %dma_start3A_53 = tpu.memref_slice %arg12[%add3A_31, %dma_start3A_52] : memref<10240x64xf32, #tpu.memory_space<vmem_shared>> -> memref<128x64xf32, #tpu.memory_space<vmem_shared>>
      tpu.enqueue_dma source(%dma_start3A_53 : memref<128x64xf32, #tpu.memory_space<vmem_shared>>) target(%arg10 : memref<128x64xf32, #tpu.memory_space<vmem>>) target_semaphore(%run_scoped3A : memref<!tpu.dma_semaphore, #tpu.memory_space<semaphore_mem>>)
      %dma_wait3A = arith.constant 0 : i32
      %dma_wait3A_54 = tpu.memref_slice %arg12[%add3A_31, %dma_wait3A] : memref<10240x64xf32, #tpu.memory_space<vmem_shared>> -> memref<128x64xf32, #tpu.memory_space<vmem_shared>>
      %dma_wait3A_55 = arith.constant 0 : i32
      %dma_wait3A_56 = tpu.memref_slice %arg12[%add3A_31, %dma_wait3A_55] : memref<10240x64xf32, #tpu.memory_space<vmem_shared>> -> memref<128x64xf32, #tpu.memory_space<vmem_shared>>
      tpu.wait_dma2 semaphore(%run_scoped3A : memref<!tpu.dma_semaphore, #tpu.memory_space<semaphore_mem>>) src(%dma_wait3A_56 : memref<128x64xf32, #tpu.memory_space<vmem_shared>>) dst(%arg10 : memref<128x64xf32, #tpu.memory_space<vmem>>)
      tpu.yield
    }) : () -> ()
    %add3A_32 = arith.constant 0 : i32
    %add3A_33 = arith.addi %mul3A_0, %add3A_32 : i32
    "tpu.region"() ({
      %run_scoped3A = tpu.sem_alloc : memref<!tpu.dma_semaphore, #tpu.memory_space<semaphore_mem>>
      %dma_start3A_50 = arith.constant 0 : i32
      %dma_start3A_51 = tpu.memref_slice %arg7[%arg0, %add3A_33, %dma_start3A_50] : memref<2x10240x64xf32, #tpu.memory_space<hbm>> -> memref<1x128x64xf32, #tpu.memory_space<hbm>>
      %dma_start3A_52 = tpu.memref_squeeze %dma_start3A_51 : memref<1x128x64xf32, #tpu.memory_space<hbm>> -> memref<128x64xf32, #tpu.memory_space<hbm>>
      %dma_start3A_53 = arith.constant 0 : i32
      %dma_start3A_54 = tpu.memref_slice %arg7[%arg0, %add3A_33, %dma_start3A_53] : memref<2x10240x64xf32, #tpu.memory_space<hbm>> -> memref<1x128x64xf32, #tpu.memory_space<hbm>>
      %dma_start3A_55 = tpu.memref_squeeze %dma_start3A_54 : memref<1x128x64xf32, #tpu.memory_space<hbm>> -> memref<128x64xf32, #tpu.memory_space<hbm>>
      tpu.enqueue_dma source(%arg10 : memref<128x64xf32, #tpu.memory_space<vmem>>) target(%dma_start3A_55 : memref<128x64xf32, #tpu.memory_space<hbm>>) target_semaphore(%run_scoped3A : memref<!tpu.dma_semaphore, #tpu.memory_space<semaphore_mem>>)
      %dma_wait3A = arith.constant 0 : i32
      %dma_wait3A_56 = tpu.memref_slice %arg7[%arg0, %add3A_33, %dma_wait3A] : memref<2x10240x64xf32, #tpu.memory_space<hbm>> -> memref<1x128x64xf32, #tpu.memory_space<hbm>>
      %dma_wait3A_57 = tpu.memref_squeeze %dma_wait3A_56 : memref<1x128x64xf32, #tpu.memory_space<hbm>> -> memref<128x64xf32, #tpu.memory_space<hbm>>
      %dma_wait3A_58 = arith.constant 0 : i32
      %dma_wait3A_59 = tpu.memref_slice %arg7[%arg0, %add3A_33, %dma_wait3A_58] : memref<2x10240x64xf32, #tpu.memory_space<hbm>> -> memref<1x128x64xf32, #tpu.memory_space<hbm>>
      %dma_wait3A_60 = tpu.memref_squeeze %dma_wait3A_59 : memref<1x128x64xf32, #tpu.memory_space<hbm>> -> memref<128x64xf32, #tpu.memory_space<hbm>>
      tpu.wait_dma2 semaphore(%run_scoped3A : memref<!tpu.dma_semaphore, #tpu.memory_space<semaphore_mem>>) src(%arg10 : memref<128x64xf32, #tpu.memory_space<vmem>>) dst(%dma_wait3A_60 : memref<128x64xf32, #tpu.memory_space<hbm>>)
      tpu.yield
    }) : () -> ()
    %add3A_34 = arith.constant 128 : i32
    %add3A_35 = arith.addi %mul3A_0, %add3A_34 : i32
    "tpu.region"() ({
      %run_scoped3A = tpu.sem_alloc : memref<!tpu.dma_semaphore, #tpu.memory_space<semaphore_mem>>
      %dma_start3A_50 = arith.constant 0 : i32
      %dma_start3A_51 = tpu.memref_slice %arg12[%add3A_35, %dma_start3A_50] : memref<10240x64xf32, #tpu.memory_space<vmem_shared>> -> memref<128x64xf32, #tpu.memory_space<vmem_shared>>
      %dma_start3A_52 = arith.constant 0 : i32
      %dma_start3A_53 = tpu.memref_slice %arg12[%add3A_35, %dma_start3A_52] : memref<10240x64xf32, #tpu.memory_space<vmem_shared>> -> memref<128x64xf32, #tpu.memory_space<vmem_shared>>
      tpu.enqueue_dma source(%dma_start3A_53 : memref<128x64xf32, #tpu.memory_space<vmem_shared>>) target(%arg10 : memref<128x64xf32, #tpu.memory_space<vmem>>) target_semaphore(%run_scoped3A : memref<!tpu.dma_semaphore, #tpu.memory_space<semaphore_mem>>)
      %dma_wait3A = arith.constant 0 : i32
      %dma_wait3A_54 = tpu.memref_slice %arg12[%add3A_35, %dma_wait3A] : memref<10240x64xf32, #tpu.memory_space<vmem_shared>> -> memref<128x64xf32, #tpu.memory_space<vmem_shared>>
      %dma_wait3A_55 = arith.constant 0 : i32
      %dma_wait3A_56 = tpu.memref_slice %arg12[%add3A_35, %dma_wait3A_55] : memref<10240x64xf32, #tpu.memory_space<vmem_shared>> -> memref<128x64xf32, #tpu.memory_space<vmem_shared>>
      tpu.wait_dma2 semaphore(%run_scoped3A : memref<!tpu.dma_semaphore, #tpu.memory_space<semaphore_mem>>) src(%dma_wait3A_56 : memref<128x64xf32, #tpu.memory_space<vmem_shared>>) dst(%arg10 : memref<128x64xf32, #tpu.memory_space<vmem>>)
      tpu.yield
    }) : () -> ()
    %add3A_36 = arith.constant 128 : i32
    %add3A_37 = arith.addi %mul3A_0, %add3A_36 : i32
    "tpu.region"() ({
      %run_scoped3A = tpu.sem_alloc : memref<!tpu.dma_semaphore, #tpu.memory_space<semaphore_mem>>
      %dma_start3A_50 = arith.constant 0 : i32
      %dma_start3A_51 = tpu.memref_slice %arg7[%arg0, %add3A_37, %dma_start3A_50] : memref<2x10240x64xf32, #tpu.memory_space<hbm>> -> memref<1x128x64xf32, #tpu.memory_space<hbm>>
      %dma_start3A_52 = tpu.memref_squeeze %dma_start3A_51 : memref<1x128x64xf32, #tpu.memory_space<hbm>> -> memref<128x64xf32, #tpu.memory_space<hbm>>
      %dma_start3A_53 = arith.constant 0 : i32
      %dma_start3A_54 = tpu.memref_slice %arg7[%arg0, %add3A_37, %dma_start3A_53] : memref<2x10240x64xf32, #tpu.memory_space<hbm>> -> memref<1x128x64xf32, #tpu.memory_space<hbm>>
      %dma_start3A_55 = tpu.memref_squeeze %dma_start3A_54 : memref<1x128x64xf32, #tpu.memory_space<hbm>> -> memref<128x64xf32, #tpu.memory_space<hbm>>
      tpu.enqueue_dma source(%arg10 : memref<128x64xf32, #tpu.memory_space<vmem>>) target(%dma_start3A_55 : memref<128x64xf32, #tpu.memory_space<hbm>>) target_semaphore(%run_scoped3A : memref<!tpu.dma_semaphore, #tpu.memory_space<semaphore_mem>>)
      %dma_wait3A = arith.constant 0 : i32
      %dma_wait3A_56 = tpu.memref_slice %arg7[%arg0, %add3A_37, %dma_wait3A] : memref<2x10240x64xf32, #tpu.memory_space<hbm>> -> memref<1x128x64xf32, #tpu.memory_space<hbm>>
      %dma_wait3A_57 = tpu.memref_squeeze %dma_wait3A_56 : memref<1x128x64xf32, #tpu.memory_space<hbm>> -> memref<128x64xf32, #tpu.memory_space<hbm>>
      %dma_wait3A_58 = arith.constant 0 : i32
      %dma_wait3A_59 = tpu.memref_slice %arg7[%arg0, %add3A_37, %dma_wait3A_58] : memref<2x10240x64xf32, #tpu.memory_space<hbm>> -> memref<1x128x64xf32, #tpu.memory_space<hbm>>
      %dma_wait3A_60 = tpu.memref_squeeze %dma_wait3A_59 : memref<1x128x64xf32, #tpu.memory_space<hbm>> -> memref<128x64xf32, #tpu.memory_space<hbm>>
      tpu.wait_dma2 semaphore(%run_scoped3A : memref<!tpu.dma_semaphore, #tpu.memory_space<semaphore_mem>>) src(%arg10 : memref<128x64xf32, #tpu.memory_space<vmem>>) dst(%dma_wait3A_60 : memref<128x64xf32, #tpu.memory_space<hbm>>)
      tpu.yield
    }) : () -> ()
    %add3A_38 = arith.constant 256 : i32
    %add3A_39 = arith.addi %mul3A_0, %add3A_38 : i32
    "tpu.region"() ({
      %run_scoped3A = tpu.sem_alloc : memref<!tpu.dma_semaphore, #tpu.memory_space<semaphore_mem>>
      %dma_start3A_50 = arith.constant 0 : i32
      %dma_start3A_51 = tpu.memref_slice %arg12[%add3A_39, %dma_start3A_50] : memref<10240x64xf32, #tpu.memory_space<vmem_shared>> -> memref<128x64xf32, #tpu.memory_space<vmem_shared>>
      %dma_start3A_52 = arith.constant 0 : i32
      %dma_start3A_53 = tpu.memref_slice %arg12[%add3A_39, %dma_start3A_52] : memref<10240x64xf32, #tpu.memory_space<vmem_shared>> -> memref<128x64xf32, #tpu.memory_space<vmem_shared>>
      tpu.enqueue_dma source(%dma_start3A_53 : memref<128x64xf32, #tpu.memory_space<vmem_shared>>) target(%arg10 : memref<128x64xf32, #tpu.memory_space<vmem>>) target_semaphore(%run_scoped3A : memref<!tpu.dma_semaphore, #tpu.memory_space<semaphore_mem>>)
      %dma_wait3A = arith.constant 0 : i32
      %dma_wait3A_54 = tpu.memref_slice %arg12[%add3A_39, %dma_wait3A] : memref<10240x64xf32, #tpu.memory_space<vmem_shared>> -> memref<128x64xf32, #tpu.memory_space<vmem_shared>>
      %dma_wait3A_55 = arith.constant 0 : i32
      %dma_wait3A_56 = tpu.memref_slice %arg12[%add3A_39, %dma_wait3A_55] : memref<10240x64xf32, #tpu.memory_space<vmem_shared>> -> memref<128x64xf32, #tpu.memory_space<vmem_shared>>
      tpu.wait_dma2 semaphore(%run_scoped3A : memref<!tpu.dma_semaphore, #tpu.memory_space<semaphore_mem>>) src(%dma_wait3A_56 : memref<128x64xf32, #tpu.memory_space<vmem_shared>>) dst(%arg10 : memref<128x64xf32, #tpu.memory_space<vmem>>)
      tpu.yield
    }) : () -> ()
    %add3A_40 = arith.constant 256 : i32
    %add3A_41 = arith.addi %mul3A_0, %add3A_40 : i32
    "tpu.region"() ({
      %run_scoped3A = tpu.sem_alloc : memref<!tpu.dma_semaphore, #tpu.memory_space<semaphore_mem>>
      %dma_start3A_50 = arith.constant 0 : i32
      %dma_start3A_51 = tpu.memref_slice %arg7[%arg0, %add3A_41, %dma_start3A_50] : memref<2x10240x64xf32, #tpu.memory_space<hbm>> -> memref<1x128x64xf32, #tpu.memory_space<hbm>>
      %dma_start3A_52 = tpu.memref_squeeze %dma_start3A_51 : memref<1x128x64xf32, #tpu.memory_space<hbm>> -> memref<128x64xf32, #tpu.memory_space<hbm>>
      %dma_start3A_53 = arith.constant 0 : i32
      %dma_start3A_54 = tpu.memref_slice %arg7[%arg0, %add3A_41, %dma_start3A_53] : memref<2x10240x64xf32, #tpu.memory_space<hbm>> -> memref<1x128x64xf32, #tpu.memory_space<hbm>>
      %dma_start3A_55 = tpu.memref_squeeze %dma_start3A_54 : memref<1x128x64xf32, #tpu.memory_space<hbm>> -> memref<128x64xf32, #tpu.memory_space<hbm>>
      tpu.enqueue_dma source(%arg10 : memref<128x64xf32, #tpu.memory_space<vmem>>) target(%dma_start3A_55 : memref<128x64xf32, #tpu.memory_space<hbm>>) target_semaphore(%run_scoped3A : memref<!tpu.dma_semaphore, #tpu.memory_space<semaphore_mem>>)
      %dma_wait3A = arith.constant 0 : i32
      %dma_wait3A_56 = tpu.memref_slice %arg7[%arg0, %add3A_41, %dma_wait3A] : memref<2x10240x64xf32, #tpu.memory_space<hbm>> -> memref<1x128x64xf32, #tpu.memory_space<hbm>>
      %dma_wait3A_57 = tpu.memref_squeeze %dma_wait3A_56 : memref<1x128x64xf32, #tpu.memory_space<hbm>> -> memref<128x64xf32, #tpu.memory_space<hbm>>
      %dma_wait3A_58 = arith.constant 0 : i32
      %dma_wait3A_59 = tpu.memref_slice %arg7[%arg0, %add3A_41, %dma_wait3A_58] : memref<2x10240x64xf32, #tpu.memory_space<hbm>> -> memref<1x128x64xf32, #tpu.memory_space<hbm>>
      %dma_wait3A_60 = tpu.memref_squeeze %dma_wait3A_59 : memref<1x128x64xf32, #tpu.memory_space<hbm>> -> memref<128x64xf32, #tpu.memory_space<hbm>>
      tpu.wait_dma2 semaphore(%run_scoped3A : memref<!tpu.dma_semaphore, #tpu.memory_space<semaphore_mem>>) src(%arg10 : memref<128x64xf32, #tpu.memory_space<vmem>>) dst(%dma_wait3A_60 : memref<128x64xf32, #tpu.memory_space<hbm>>)
      tpu.yield
    }) : () -> ()
    %add3A_42 = arith.constant 384 : i32
    %add3A_43 = arith.addi %mul3A_0, %add3A_42 : i32
    "tpu.region"() ({
      %run_scoped3A = tpu.sem_alloc : memref<!tpu.dma_semaphore, #tpu.memory_space<semaphore_mem>>
      %dma_start3A_50 = arith.constant 0 : i32
      %dma_start3A_51 = tpu.memref_slice %arg12[%add3A_43, %dma_start3A_50] : memref<10240x64xf32, #tpu.memory_space<vmem_shared>> -> memref<128x64xf32, #tpu.memory_space<vmem_shared>>
      %dma_start3A_52 = arith.constant 0 : i32
      %dma_start3A_53 = tpu.memref_slice %arg12[%add3A_43, %dma_start3A_52] : memref<10240x64xf32, #tpu.memory_space<vmem_shared>> -> memref<128x64xf32, #tpu.memory_space<vmem_shared>>
      tpu.enqueue_dma source(%dma_start3A_53 : memref<128x64xf32, #tpu.memory_space<vmem_shared>>) target(%arg10 : memref<128x64xf32, #tpu.memory_space<vmem>>) target_semaphore(%run_scoped3A : memref<!tpu.dma_semaphore, #tpu.memory_space<semaphore_mem>>)
      %dma_wait3A = arith.constant 0 : i32
      %dma_wait3A_54 = tpu.memref_slice %arg12[%add3A_43, %dma_wait3A] : memref<10240x64xf32, #tpu.memory_space<vmem_shared>> -> memref<128x64xf32, #tpu.memory_space<vmem_shared>>
      %dma_wait3A_55 = arith.constant 0 : i32
      %dma_wait3A_56 = tpu.memref_slice %arg12[%add3A_43, %dma_wait3A_55] : memref<10240x64xf32, #tpu.memory_space<vmem_shared>> -> memref<128x64xf32, #tpu.memory_space<vmem_shared>>
      tpu.wait_dma2 semaphore(%run_scoped3A : memref<!tpu.dma_semaphore, #tpu.memory_space<semaphore_mem>>) src(%dma_wait3A_56 : memref<128x64xf32, #tpu.memory_space<vmem_shared>>) dst(%arg10 : memref<128x64xf32, #tpu.memory_space<vmem>>)
      tpu.yield
    }) : () -> ()
    %add3A_44 = arith.constant 384 : i32
    %add3A_45 = arith.addi %mul3A_0, %add3A_44 : i32
    "tpu.region"() ({
      %run_scoped3A = tpu.sem_alloc : memref<!tpu.dma_semaphore, #tpu.memory_space<semaphore_mem>>
      %dma_start3A_50 = arith.constant 0 : i32
      %dma_start3A_51 = tpu.memref_slice %arg7[%arg0, %add3A_45, %dma_start3A_50] : memref<2x10240x64xf32, #tpu.memory_space<hbm>> -> memref<1x128x64xf32, #tpu.memory_space<hbm>>
      %dma_start3A_52 = tpu.memref_squeeze %dma_start3A_51 : memref<1x128x64xf32, #tpu.memory_space<hbm>> -> memref<128x64xf32, #tpu.memory_space<hbm>>
      %dma_start3A_53 = arith.constant 0 : i32
      %dma_start3A_54 = tpu.memref_slice %arg7[%arg0, %add3A_45, %dma_start3A_53] : memref<2x10240x64xf32, #tpu.memory_space<hbm>> -> memref<1x128x64xf32, #tpu.memory_space<hbm>>
      %dma_start3A_55 = tpu.memref_squeeze %dma_start3A_54 : memref<1x128x64xf32, #tpu.memory_space<hbm>> -> memref<128x64xf32, #tpu.memory_space<hbm>>
      tpu.enqueue_dma source(%arg10 : memref<128x64xf32, #tpu.memory_space<vmem>>) target(%dma_start3A_55 : memref<128x64xf32, #tpu.memory_space<hbm>>) target_semaphore(%run_scoped3A : memref<!tpu.dma_semaphore, #tpu.memory_space<semaphore_mem>>)
      %dma_wait3A = arith.constant 0 : i32
      %dma_wait3A_56 = tpu.memref_slice %arg7[%arg0, %add3A_45, %dma_wait3A] : memref<2x10240x64xf32, #tpu.memory_space<hbm>> -> memref<1x128x64xf32, #tpu.memory_space<hbm>>
      %dma_wait3A_57 = tpu.memref_squeeze %dma_wait3A_56 : memref<1x128x64xf32, #tpu.memory_space<hbm>> -> memref<128x64xf32, #tpu.memory_space<hbm>>
      %dma_wait3A_58 = arith.constant 0 : i32
      %dma_wait3A_59 = tpu.memref_slice %arg7[%arg0, %add3A_45, %dma_wait3A_58] : memref<2x10240x64xf32, #tpu.memory_space<hbm>> -> memref<1x128x64xf32, #tpu.memory_space<hbm>>
      %dma_wait3A_60 = tpu.memref_squeeze %dma_wait3A_59 : memref<1x128x64xf32, #tpu.memory_space<hbm>> -> memref<128x64xf32, #tpu.memory_space<hbm>>
      tpu.wait_dma2 semaphore(%run_scoped3A : memref<!tpu.dma_semaphore, #tpu.memory_space<semaphore_mem>>) src(%arg10 : memref<128x64xf32, #tpu.memory_space<vmem>>) dst(%dma_wait3A_60 : memref<128x64xf32, #tpu.memory_space<hbm>>)
      tpu.yield
    }) : () -> ()
    %add3A_46 = arith.constant 512 : i32
    %add3A_47 = arith.addi %mul3A_0, %add3A_46 : i32
    "tpu.region"() ({
      %run_scoped3A = tpu.sem_alloc : memref<!tpu.dma_semaphore, #tpu.memory_space<semaphore_mem>>
      %dma_start3A_50 = arith.constant 0 : i32
      %dma_start3A_51 = tpu.memref_slice %arg12[%add3A_47, %dma_start3A_50] : memref<10240x64xf32, #tpu.memory_space<vmem_shared>> -> memref<128x64xf32, #tpu.memory_space<vmem_shared>>
      %dma_start3A_52 = arith.constant 0 : i32
      %dma_start3A_53 = tpu.memref_slice %arg12[%add3A_47, %dma_start3A_52] : memref<10240x64xf32, #tpu.memory_space<vmem_shared>> -> memref<128x64xf32, #tpu.memory_space<vmem_shared>>
      tpu.enqueue_dma source(%dma_start3A_53 : memref<128x64xf32, #tpu.memory_space<vmem_shared>>) target(%arg10 : memref<128x64xf32, #tpu.memory_space<vmem>>) target_semaphore(%run_scoped3A : memref<!tpu.dma_semaphore, #tpu.memory_space<semaphore_mem>>)
      %dma_wait3A = arith.constant 0 : i32
      %dma_wait3A_54 = tpu.memref_slice %arg12[%add3A_47, %dma_wait3A] : memref<10240x64xf32, #tpu.memory_space<vmem_shared>> -> memref<128x64xf32, #tpu.memory_space<vmem_shared>>
      %dma_wait3A_55 = arith.constant 0 : i32
      %dma_wait3A_56 = tpu.memref_slice %arg12[%add3A_47, %dma_wait3A_55] : memref<10240x64xf32, #tpu.memory_space<vmem_shared>> -> memref<128x64xf32, #tpu.memory_space<vmem_shared>>
      tpu.wait_dma2 semaphore(%run_scoped3A : memref<!tpu.dma_semaphore, #tpu.memory_space<semaphore_mem>>) src(%dma_wait3A_56 : memref<128x64xf32, #tpu.memory_space<vmem_shared>>) dst(%arg10 : memref<128x64xf32, #tpu.memory_space<vmem>>)
      tpu.yield
    }) : () -> ()
    %add3A_48 = arith.constant 512 : i32
    %add3A_49 = arith.addi %mul3A_0, %add3A_48 : i32
    "tpu.region"() ({
      %run_scoped3A = tpu.sem_alloc : memref<!tpu.dma_semaphore, #tpu.memory_space<semaphore_mem>>
      %dma_start3A_50 = arith.constant 0 : i32
      %dma_start3A_51 = tpu.memref_slice %arg7[%arg0, %add3A_49, %dma_start3A_50] : memref<2x10240x64xf32, #tpu.memory_space<hbm>> -> memref<1x128x64xf32, #tpu.memory_space<hbm>>
      %dma_start3A_52 = tpu.memref_squeeze %dma_start3A_51 : memref<1x128x64xf32, #tpu.memory_space<hbm>> -> memref<128x64xf32, #tpu.memory_space<hbm>>
      %dma_start3A_53 = arith.constant 0 : i32
      %dma_start3A_54 = tpu.memref_slice %arg7[%arg0, %add3A_49, %dma_start3A_53] : memref<2x10240x64xf32, #tpu.memory_space<hbm>> -> memref<1x128x64xf32, #tpu.memory_space<hbm>>
      %dma_start3A_55 = tpu.memref_squeeze %dma_start3A_54 : memref<1x128x64xf32, #tpu.memory_space<hbm>> -> memref<128x64xf32, #tpu.memory_space<hbm>>
      tpu.enqueue_dma source(%arg10 : memref<128x64xf32, #tpu.memory_space<vmem>>) target(%dma_start3A_55 : memref<128x64xf32, #tpu.memory_space<hbm>>) target_semaphore(%run_scoped3A : memref<!tpu.dma_semaphore, #tpu.memory_space<semaphore_mem>>)
      %dma_wait3A = arith.constant 0 : i32
      %dma_wait3A_56 = tpu.memref_slice %arg7[%arg0, %add3A_49, %dma_wait3A] : memref<2x10240x64xf32, #tpu.memory_space<hbm>> -> memref<1x128x64xf32, #tpu.memory_space<hbm>>
      %dma_wait3A_57 = tpu.memref_squeeze %dma_wait3A_56 : memref<1x128x64xf32, #tpu.memory_space<hbm>> -> memref<128x64xf32, #tpu.memory_space<hbm>>
      %dma_wait3A_58 = arith.constant 0 : i32
      %dma_wait3A_59 = tpu.memref_slice %arg7[%arg0, %add3A_49, %dma_wait3A_58] : memref<2x10240x64xf32, #tpu.memory_space<hbm>> -> memref<1x128x64xf32, #tpu.memory_space<hbm>>
      %dma_wait3A_60 = tpu.memref_squeeze %dma_wait3A_59 : memref<1x128x64xf32, #tpu.memory_space<hbm>> -> memref<128x64xf32, #tpu.memory_space<hbm>>
      tpu.wait_dma2 semaphore(%run_scoped3A : memref<!tpu.dma_semaphore, #tpu.memory_space<semaphore_mem>>) src(%arg10 : memref<128x64xf32, #tpu.memory_space<vmem>>) dst(%dma_wait3A_60 : memref<128x64xf32, #tpu.memory_space<hbm>>)
      tpu.yield
    }) : () -> ()
    return
  }
}

#map = affine_map<(d0, d1) -> (0, 0)>
#map1 = affine_map<(d0, d1) -> (0, 0, 0)>
module attributes {stable_mosaic.version = 14 : i64} {
  func.func @_sc_agg_body(%arg0: i32, %arg1: i32, %arg2: memref<2560x128xi32, #tpu.memory_space<hbm>>, %arg3: memref<2560x128xi32, #tpu.memory_space<hbm>>, %arg4: memref<20000x64xf32, #tpu.memory_space<hbm>>, %arg5: memref<128x64xf32, #tpu.memory_space<hbm>>, %arg6: memref<2x10240x16xf32, #tpu.memory_space<hbm>>, %arg7: memref<2x10240x64xf32, #tpu.memory_space<hbm>>, %arg8: memref<160x128xi32, #tpu.memory_space<vmem>>, %arg9: memref<160x128xi32, #tpu.memory_space<vmem>>, %arg10: memref<128x64xf32, #tpu.memory_space<vmem>>, %arg11: memref<128x64xf32, #tpu.memory_space<vmem>>, %arg12: memref<10240x64xf32, #tpu.memory_space<vmem_shared>>, %arg13: memref<!tpu.dma_semaphore, #tpu.memory_space<semaphore_mem>>, %arg14: memref<!tpu.dma_semaphore, #tpu.memory_space<semaphore_mem>>) attributes {dimension_semantics = [#tpu.dimension_semantics<core_parallel>, #tpu.dimension_semantics<subcore_parallel>], iteration_bounds = array<i64: 2, 16>, scalar_prefetch = 0 : i64, scratch_operands = 7 : i64, tpu.core_type = #tpu.core_type<sc_vector_subcore>, window_params = [{transform_indices = #map}, {transform_indices = #map}, {transform_indices = #map}, {transform_indices = #map}, {transform_indices = #map1}, {transform_indices = #map1}]} {
    %mul3A = arith.constant 640 : i32
    %mul3A_0 = arith.muli %arg1, %mul3A : i32
    "tpu.region"() ({
      %run_scoped3A = tpu.sem_alloc : memref<!tpu.dma_semaphore, #tpu.memory_space<semaphore_mem>>
      tpu.enqueue_dma source(%arg5 : memref<128x64xf32, #tpu.memory_space<hbm>>) target(%arg10 : memref<128x64xf32, #tpu.memory_space<vmem>>) target_semaphore(%run_scoped3A : memref<!tpu.dma_semaphore, #tpu.memory_space<semaphore_mem>>)
      tpu.wait_dma2 semaphore(%run_scoped3A : memref<!tpu.dma_semaphore, #tpu.memory_space<semaphore_mem>>) src(%arg5 : memref<128x64xf32, #tpu.memory_space<hbm>>) dst(%arg10 : memref<128x64xf32, #tpu.memory_space<vmem>>)
      tpu.yield
    }) : () -> ()
    %add3A = arith.constant 0 : i32
    %add3A_1 = arith.addi %mul3A_0, %add3A : i32
    "tpu.region"() ({
      %run_scoped3A = tpu.sem_alloc : memref<!tpu.dma_semaphore, #tpu.memory_space<semaphore_mem>>
      %dma_start3A_50 = arith.constant 0 : i32
      %dma_start3A_51 = tpu.memref_slice %arg12[%add3A_1, %dma_start3A_50] : memref<10240x64xf32, #tpu.memory_space<vmem_shared>> -> memref<128x64xf32, #tpu.memory_space<vmem_shared>>
      %dma_start3A_52 = arith.constant 0 : i32
      %dma_start3A_53 = tpu.memref_slice %arg12[%add3A_1, %dma_start3A_52] : memref<10240x64xf32, #tpu.memory_space<vmem_shared>> -> memref<128x64xf32, #tpu.memory_space<vmem_shared>>
      tpu.enqueue_dma source(%arg10 : memref<128x64xf32, #tpu.memory_space<vmem>>) target(%dma_start3A_53 : memref<128x64xf32, #tpu.memory_space<vmem_shared>>) target_semaphore(%run_scoped3A : memref<!tpu.dma_semaphore, #tpu.memory_space<semaphore_mem>>)
      %dma_wait3A = arith.constant 0 : i32
      %dma_wait3A_54 = tpu.memref_slice %arg12[%add3A_1, %dma_wait3A] : memref<10240x64xf32, #tpu.memory_space<vmem_shared>> -> memref<128x64xf32, #tpu.memory_space<vmem_shared>>
      %dma_wait3A_55 = arith.constant 0 : i32
      %dma_wait3A_56 = tpu.memref_slice %arg12[%add3A_1, %dma_wait3A_55] : memref<10240x64xf32, #tpu.memory_space<vmem_shared>> -> memref<128x64xf32, #tpu.memory_space<vmem_shared>>
      tpu.wait_dma2 semaphore(%run_scoped3A : memref<!tpu.dma_semaphore, #tpu.memory_space<semaphore_mem>>) src(%arg10 : memref<128x64xf32, #tpu.memory_space<vmem>>) dst(%dma_wait3A_56 : memref<128x64xf32, #tpu.memory_space<vmem_shared>>)
      tpu.yield
    }) : () -> ()
    %add3A_2 = arith.constant 128 : i32
    %add3A_3 = arith.addi %mul3A_0, %add3A_2 : i32
    "tpu.region"() ({
      %run_scoped3A = tpu.sem_alloc : memref<!tpu.dma_semaphore, #tpu.memory_space<semaphore_mem>>
      %dma_start3A_50 = arith.constant 0 : i32
      %dma_start3A_51 = tpu.memref_slice %arg12[%add3A_3, %dma_start3A_50] : memref<10240x64xf32, #tpu.memory_space<vmem_shared>> -> memref<128x64xf32, #tpu.memory_space<vmem_shared>>
      %dma_start3A_52 = arith.constant 0 : i32
      %dma_start3A_53 = tpu.memref_slice %arg12[%add3A_3, %dma_start3A_52] : memref<10240x64xf32, #tpu.memory_space<vmem_shared>> -> memref<128x64xf32, #tpu.memory_space<vmem_shared>>
      tpu.enqueue_dma source(%arg10 : memref<128x64xf32, #tpu.memory_space<vmem>>) target(%dma_start3A_53 : memref<128x64xf32, #tpu.memory_space<vmem_shared>>) target_semaphore(%run_scoped3A : memref<!tpu.dma_semaphore, #tpu.memory_space<semaphore_mem>>)
      %dma_wait3A = arith.constant 0 : i32
      %dma_wait3A_54 = tpu.memref_slice %arg12[%add3A_3, %dma_wait3A] : memref<10240x64xf32, #tpu.memory_space<vmem_shared>> -> memref<128x64xf32, #tpu.memory_space<vmem_shared>>
      %dma_wait3A_55 = arith.constant 0 : i32
      %dma_wait3A_56 = tpu.memref_slice %arg12[%add3A_3, %dma_wait3A_55] : memref<10240x64xf32, #tpu.memory_space<vmem_shared>> -> memref<128x64xf32, #tpu.memory_space<vmem_shared>>
      tpu.wait_dma2 semaphore(%run_scoped3A : memref<!tpu.dma_semaphore, #tpu.memory_space<semaphore_mem>>) src(%arg10 : memref<128x64xf32, #tpu.memory_space<vmem>>) dst(%dma_wait3A_56 : memref<128x64xf32, #tpu.memory_space<vmem_shared>>)
      tpu.yield
    }) : () -> ()
    %add3A_4 = arith.constant 256 : i32
    %add3A_5 = arith.addi %mul3A_0, %add3A_4 : i32
    "tpu.region"() ({
      %run_scoped3A = tpu.sem_alloc : memref<!tpu.dma_semaphore, #tpu.memory_space<semaphore_mem>>
      %dma_start3A_50 = arith.constant 0 : i32
      %dma_start3A_51 = tpu.memref_slice %arg12[%add3A_5, %dma_start3A_50] : memref<10240x64xf32, #tpu.memory_space<vmem_shared>> -> memref<128x64xf32, #tpu.memory_space<vmem_shared>>
      %dma_start3A_52 = arith.constant 0 : i32
      %dma_start3A_53 = tpu.memref_slice %arg12[%add3A_5, %dma_start3A_52] : memref<10240x64xf32, #tpu.memory_space<vmem_shared>> -> memref<128x64xf32, #tpu.memory_space<vmem_shared>>
      tpu.enqueue_dma source(%arg10 : memref<128x64xf32, #tpu.memory_space<vmem>>) target(%dma_start3A_53 : memref<128x64xf32, #tpu.memory_space<vmem_shared>>) target_semaphore(%run_scoped3A : memref<!tpu.dma_semaphore, #tpu.memory_space<semaphore_mem>>)
      %dma_wait3A = arith.constant 0 : i32
      %dma_wait3A_54 = tpu.memref_slice %arg12[%add3A_5, %dma_wait3A] : memref<10240x64xf32, #tpu.memory_space<vmem_shared>> -> memref<128x64xf32, #tpu.memory_space<vmem_shared>>
      %dma_wait3A_55 = arith.constant 0 : i32
      %dma_wait3A_56 = tpu.memref_slice %arg12[%add3A_5, %dma_wait3A_55] : memref<10240x64xf32, #tpu.memory_space<vmem_shared>> -> memref<128x64xf32, #tpu.memory_space<vmem_shared>>
      tpu.wait_dma2 semaphore(%run_scoped3A : memref<!tpu.dma_semaphore, #tpu.memory_space<semaphore_mem>>) src(%arg10 : memref<128x64xf32, #tpu.memory_space<vmem>>) dst(%dma_wait3A_56 : memref<128x64xf32, #tpu.memory_space<vmem_shared>>)
      tpu.yield
    }) : () -> ()
    %add3A_6 = arith.constant 384 : i32
    %add3A_7 = arith.addi %mul3A_0, %add3A_6 : i32
    "tpu.region"() ({
      %run_scoped3A = tpu.sem_alloc : memref<!tpu.dma_semaphore, #tpu.memory_space<semaphore_mem>>
      %dma_start3A_50 = arith.constant 0 : i32
      %dma_start3A_51 = tpu.memref_slice %arg12[%add3A_7, %dma_start3A_50] : memref<10240x64xf32, #tpu.memory_space<vmem_shared>> -> memref<128x64xf32, #tpu.memory_space<vmem_shared>>
      %dma_start3A_52 = arith.constant 0 : i32
      %dma_start3A_53 = tpu.memref_slice %arg12[%add3A_7, %dma_start3A_52] : memref<10240x64xf32, #tpu.memory_space<vmem_shared>> -> memref<128x64xf32, #tpu.memory_space<vmem_shared>>
      tpu.enqueue_dma source(%arg10 : memref<128x64xf32, #tpu.memory_space<vmem>>) target(%dma_start3A_53 : memref<128x64xf32, #tpu.memory_space<vmem_shared>>) target_semaphore(%run_scoped3A : memref<!tpu.dma_semaphore, #tpu.memory_space<semaphore_mem>>)
      %dma_wait3A = arith.constant 0 : i32
      %dma_wait3A_54 = tpu.memref_slice %arg12[%add3A_7, %dma_wait3A] : memref<10240x64xf32, #tpu.memory_space<vmem_shared>> -> memref<128x64xf32, #tpu.memory_space<vmem_shared>>
      %dma_wait3A_55 = arith.constant 0 : i32
      %dma_wait3A_56 = tpu.memref_slice %arg12[%add3A_7, %dma_wait3A_55] : memref<10240x64xf32, #tpu.memory_space<vmem_shared>> -> memref<128x64xf32, #tpu.memory_space<vmem_shared>>
      tpu.wait_dma2 semaphore(%run_scoped3A : memref<!tpu.dma_semaphore, #tpu.memory_space<semaphore_mem>>) src(%arg10 : memref<128x64xf32, #tpu.memory_space<vmem>>) dst(%dma_wait3A_56 : memref<128x64xf32, #tpu.memory_space<vmem_shared>>)
      tpu.yield
    }) : () -> ()
    %add3A_8 = arith.constant 512 : i32
    %add3A_9 = arith.addi %mul3A_0, %add3A_8 : i32
    "tpu.region"() ({
      %run_scoped3A = tpu.sem_alloc : memref<!tpu.dma_semaphore, #tpu.memory_space<semaphore_mem>>
      %dma_start3A_50 = arith.constant 0 : i32
      %dma_start3A_51 = tpu.memref_slice %arg12[%add3A_9, %dma_start3A_50] : memref<10240x64xf32, #tpu.memory_space<vmem_shared>> -> memref<128x64xf32, #tpu.memory_space<vmem_shared>>
      %dma_start3A_52 = arith.constant 0 : i32
      %dma_start3A_53 = tpu.memref_slice %arg12[%add3A_9, %dma_start3A_52] : memref<10240x64xf32, #tpu.memory_space<vmem_shared>> -> memref<128x64xf32, #tpu.memory_space<vmem_shared>>
      tpu.enqueue_dma source(%arg10 : memref<128x64xf32, #tpu.memory_space<vmem>>) target(%dma_start3A_53 : memref<128x64xf32, #tpu.memory_space<vmem_shared>>) target_semaphore(%run_scoped3A : memref<!tpu.dma_semaphore, #tpu.memory_space<semaphore_mem>>)
      %dma_wait3A = arith.constant 0 : i32
      %dma_wait3A_54 = tpu.memref_slice %arg12[%add3A_9, %dma_wait3A] : memref<10240x64xf32, #tpu.memory_space<vmem_shared>> -> memref<128x64xf32, #tpu.memory_space<vmem_shared>>
      %dma_wait3A_55 = arith.constant 0 : i32
      %dma_wait3A_56 = tpu.memref_slice %arg12[%add3A_9, %dma_wait3A_55] : memref<10240x64xf32, #tpu.memory_space<vmem_shared>> -> memref<128x64xf32, #tpu.memory_space<vmem_shared>>
      tpu.wait_dma2 semaphore(%run_scoped3A : memref<!tpu.dma_semaphore, #tpu.memory_space<semaphore_mem>>) src(%arg10 : memref<128x64xf32, #tpu.memory_space<vmem>>) dst(%dma_wait3A_56 : memref<128x64xf32, #tpu.memory_space<vmem_shared>>)
      tpu.yield
    }) : () -> ()
    %mul3A_10 = arith.constant 160 : i32
    %mul3A_11 = arith.muli %arg1, %mul3A_10 : i32
    "tpu.region"() ({
      %run_scoped3A = tpu.sem_alloc : memref<!tpu.dma_semaphore, #tpu.memory_space<semaphore_mem>>
      %dma_start3A_50 = arith.constant 0 : i32
      %dma_start3A_51 = tpu.memref_slice %arg2[%mul3A_11, %dma_start3A_50] : memref<2560x128xi32, #tpu.memory_space<hbm>> -> memref<160x128xi32, #tpu.memory_space<hbm>>
      %dma_start3A_52 = arith.constant 0 : i32
      %dma_start3A_53 = tpu.memref_slice %arg2[%mul3A_11, %dma_start3A_52] : memref<2560x128xi32, #tpu.memory_space<hbm>> -> memref<160x128xi32, #tpu.memory_space<hbm>>
      tpu.enqueue_dma source(%dma_start3A_53 : memref<160x128xi32, #tpu.memory_space<hbm>>) target(%arg8 : memref<160x128xi32, #tpu.memory_space<vmem>>) target_semaphore(%run_scoped3A : memref<!tpu.dma_semaphore, #tpu.memory_space<semaphore_mem>>)
      %dma_wait3A = arith.constant 0 : i32
      %dma_wait3A_54 = tpu.memref_slice %arg2[%mul3A_11, %dma_wait3A] : memref<2560x128xi32, #tpu.memory_space<hbm>> -> memref<160x128xi32, #tpu.memory_space<hbm>>
      %dma_wait3A_55 = arith.constant 0 : i32
      %dma_wait3A_56 = tpu.memref_slice %arg2[%mul3A_11, %dma_wait3A_55] : memref<2560x128xi32, #tpu.memory_space<hbm>> -> memref<160x128xi32, #tpu.memory_space<hbm>>
      tpu.wait_dma2 semaphore(%run_scoped3A : memref<!tpu.dma_semaphore, #tpu.memory_space<semaphore_mem>>) src(%dma_wait3A_56 : memref<160x128xi32, #tpu.memory_space<hbm>>) dst(%arg8 : memref<160x128xi32, #tpu.memory_space<vmem>>)
      tpu.yield
    }) : () -> ()
    %mul3A_12 = arith.constant 160 : i32
    %mul3A_13 = arith.muli %arg1, %mul3A_12 : i32
    "tpu.region"() ({
      %run_scoped3A = tpu.sem_alloc : memref<!tpu.dma_semaphore, #tpu.memory_space<semaphore_mem>>
      %dma_start3A_50 = arith.constant 0 : i32
      %dma_start3A_51 = tpu.memref_slice %arg3[%mul3A_13, %dma_start3A_50] : memref<2560x128xi32, #tpu.memory_space<hbm>> -> memref<160x128xi32, #tpu.memory_space<hbm>>
      %dma_start3A_52 = arith.constant 0 : i32
      %dma_start3A_53 = tpu.memref_slice %arg3[%mul3A_13, %dma_start3A_52] : memref<2560x128xi32, #tpu.memory_space<hbm>> -> memref<160x128xi32, #tpu.memory_space<hbm>>
      tpu.enqueue_dma source(%dma_start3A_53 : memref<160x128xi32, #tpu.memory_space<hbm>>) target(%arg9 : memref<160x128xi32, #tpu.memory_space<vmem>>) target_semaphore(%run_scoped3A : memref<!tpu.dma_semaphore, #tpu.memory_space<semaphore_mem>>)
      %dma_wait3A = arith.constant 0 : i32
      %dma_wait3A_54 = tpu.memref_slice %arg3[%mul3A_13, %dma_wait3A] : memref<2560x128xi32, #tpu.memory_space<hbm>> -> memref<160x128xi32, #tpu.memory_space<hbm>>
      %dma_wait3A_55 = arith.constant 0 : i32
      %dma_wait3A_56 = tpu.memref_slice %arg3[%mul3A_13, %dma_wait3A_55] : memref<2560x128xi32, #tpu.memory_space<hbm>> -> memref<160x128xi32, #tpu.memory_space<hbm>>
      tpu.wait_dma2 semaphore(%run_scoped3A : memref<!tpu.dma_semaphore, #tpu.memory_space<semaphore_mem>>) src(%dma_wait3A_56 : memref<160x128xi32, #tpu.memory_space<hbm>>) dst(%arg9 : memref<160x128xi32, #tpu.memory_space<vmem>>)
      tpu.yield
    }) : () -> ()
    %barrier3A = arith.constant 0 : index
    tpu.barrier barrier_id(%barrier3A)
    %mul3A_14 = arith.constant 10000 : i32
    %mul3A_15 = arith.muli %arg0, %mul3A_14 : i32
    %dma_start3A = arith.constant 0 : i32
    %dma_start3A_16 = arith.constant 0 : i32
    %dma_start3A_17 = tpu.memref_slice %arg8[%dma_start3A, %dma_start3A_16] : memref<160x128xi32, #tpu.memory_space<vmem>> -> memref<1x128xi32, #tpu.memory_space<vmem>>
    %dma_start3A_18 = tpu.memref_squeeze %dma_start3A_17 : memref<1x128xi32, #tpu.memory_space<vmem>> -> memref<128xi32, #tpu.memory_space<vmem>>
    %dma_start3A_19 = arith.constant 0 : i32
    %dma_start3A_20 = tpu.memref_slice %arg4[%mul3A_15, %dma_start3A_19] : memref<20000x64xf32, #tpu.memory_space<hbm>> -> memref<10000x64xf32, #tpu.memory_space<hbm>>
    %dma_start3A_21 = arith.constant 0 : i32
    %dma_start3A_22 = arith.constant 0 : i32
    %dma_start3A_23 = tpu.memref_slice %dma_start3A_20[%dma_start3A_21, %dma_start3A_22] : memref<10000x64xf32, #tpu.memory_space<hbm>> -> memref<10000x64xf32, #tpu.memory_space<hbm>>
    tpu.enqueue_indirect_dma source(%dma_start3A_23 : memref<10000x64xf32, #tpu.memory_space<hbm>>) target(%arg10 : memref<128x64xf32, #tpu.memory_space<vmem>>) offsets(%dma_start3A_18 : memref<128xi32, #tpu.memory_space<vmem>>) semaphore(%arg13 : memref<!tpu.dma_semaphore, #tpu.memory_space<semaphore_mem>>)
    %scan3A = arith.constant 0 : i32
    %scan3A_24 = arith.constant 0 : i32
    %scan3A_25 = arith.constant 80 : i32
    %scan3A_26 = arith.addi %scan3A_24, %scan3A_25 : i32
    %scan3A_27 = arith.constant 1 : i32
    scf.for %scan3A_50 = %scan3A_24 to %scan3A_26 step %scan3A_27  : i32 {
      %mul3A_51 = arith.constant 2 : i32
      %mul3A_52 = arith.muli %mul3A_51, %scan3A_50 : i32
      %add3A_53 = arith.constant 1 : i32
      %add3A_54 = arith.addi %mul3A_52, %add3A_53 : i32
      %dma_start3A_55 = arith.constant 0 : i32
      %dma_start3A_56 = tpu.memref_slice %arg8[%add3A_54, %dma_start3A_55] : memref<160x128xi32, #tpu.memory_space<vmem>> -> memref<1x128xi32, #tpu.memory_space<vmem>>
      %dma_start3A_57 = tpu.memref_squeeze %dma_start3A_56 : memref<1x128xi32, #tpu.memory_space<vmem>> -> memref<128xi32, #tpu.memory_space<vmem>>
      %dma_start3A_58 = arith.constant 0 : i32
      %dma_start3A_59 = tpu.memref_slice %arg4[%mul3A_15, %dma_start3A_58] : memref<20000x64xf32, #tpu.memory_space<hbm>> -> memref<10000x64xf32, #tpu.memory_space<hbm>>
      %dma_start3A_60 = arith.constant 0 : i32
      %dma_start3A_61 = arith.constant 0 : i32
      %dma_start3A_62 = tpu.memref_slice %dma_start3A_59[%dma_start3A_60, %dma_start3A_61] : memref<10000x64xf32, #tpu.memory_space<hbm>> -> memref<10000x64xf32, #tpu.memory_space<hbm>>
      tpu.enqueue_indirect_dma source(%dma_start3A_62 : memref<10000x64xf32, #tpu.memory_space<hbm>>) target(%arg11 : memref<128x64xf32, #tpu.memory_space<vmem>>) offsets(%dma_start3A_57 : memref<128xi32, #tpu.memory_space<vmem>>) semaphore(%arg14 : memref<!tpu.dma_semaphore, #tpu.memory_space<semaphore_mem>>)
      %dma_wait3A = arith.constant 0 : i32
      %dma_wait3A_63 = tpu.memref_slice %arg8[%mul3A_52, %dma_wait3A] : memref<160x128xi32, #tpu.memory_space<vmem>> -> memref<1x128xi32, #tpu.memory_space<vmem>>
      %dma_wait3A_64 = tpu.memref_squeeze %dma_wait3A_63 : memref<1x128xi32, #tpu.memory_space<vmem>> -> memref<128xi32, #tpu.memory_space<vmem>>
      %dma_wait3A_65 = arith.constant 0 : i32
      %dma_wait3A_66 = tpu.memref_slice %arg4[%mul3A_15, %dma_wait3A_65] : memref<20000x64xf32, #tpu.memory_space<hbm>> -> memref<10000x64xf32, #tpu.memory_space<hbm>>
      %dma_wait3A_67 = arith.constant 0 : i32
      %dma_wait3A_68 = arith.constant 0 : i32
      %dma_wait3A_69 = tpu.memref_slice %dma_wait3A_66[%dma_wait3A_67, %dma_wait3A_68] : memref<10000x64xf32, #tpu.memory_space<hbm>> -> memref<10000x64xf32, #tpu.memory_space<hbm>>
      tpu.wait_indirect_dma semaphore(%arg13 : memref<!tpu.dma_semaphore, #tpu.memory_space<semaphore_mem>>) src(%dma_wait3A_69 : memref<10000x64xf32, #tpu.memory_space<hbm>>) dst(%arg10 : memref<128x64xf32, #tpu.memory_space<vmem>>)
      "tpu.region"() ({
        %run_scoped3A = tpu.sem_alloc : memref<!tpu.dma_semaphore, #tpu.memory_space<semaphore_mem>>
        %dma_start3A_86 = arith.constant 0 : i32
        %dma_start3A_87 = tpu.memref_slice %arg9[%mul3A_52, %dma_start3A_86] : memref<160x128xi32, #tpu.memory_space<vmem>> -> memref<1x128xi32, #tpu.memory_space<vmem>>
        %dma_start3A_88 = tpu.memref_squeeze %dma_start3A_87 : memref<1x128xi32, #tpu.memory_space<vmem>> -> memref<128xi32, #tpu.memory_space<vmem>>
        %dma_start3A_89 = arith.constant 0 : i32
        %dma_start3A_90 = arith.constant 0 : i32
        %dma_start3A_91 = tpu.memref_slice %arg12[%dma_start3A_89, %dma_start3A_90] : memref<10240x64xf32, #tpu.memory_space<vmem_shared>> -> memref<10240x64xf32, #tpu.memory_space<vmem_shared>>
        tpu.enqueue_indirect_dma source(%arg10 : memref<128x64xf32, #tpu.memory_space<vmem>>) target(%dma_start3A_91 : memref<10240x64xf32, #tpu.memory_space<vmem_shared>>) offsets(%dma_start3A_88 : memref<128xi32, #tpu.memory_space<vmem>>) semaphore(%run_scoped3A : memref<!tpu.dma_semaphore, #tpu.memory_space<semaphore_mem>>) {add = true}
        %dma_wait3A_92 = arith.constant 0 : i32
        %dma_wait3A_93 = tpu.memref_slice %arg9[%mul3A_52, %dma_wait3A_92] : memref<160x128xi32, #tpu.memory_space<vmem>> -> memref<1x128xi32, #tpu.memory_space<vmem>>
        %dma_wait3A_94 = tpu.memref_squeeze %dma_wait3A_93 : memref<1x128xi32, #tpu.memory_space<vmem>> -> memref<128xi32, #tpu.memory_space<vmem>>
        %dma_wait3A_95 = arith.constant 0 : i32
        %dma_wait3A_96 = arith.constant 0 : i32
        %dma_wait3A_97 = tpu.memref_slice %arg12[%dma_wait3A_95, %dma_wait3A_96] : memref<10240x64xf32, #tpu.memory_space<vmem_shared>> -> memref<10240x64xf32, #tpu.memory_space<vmem_shared>>
        tpu.wait_indirect_dma semaphore(%run_scoped3A : memref<!tpu.dma_semaphore, #tpu.memory_space<semaphore_mem>>) src(%arg10 : memref<128x64xf32, #tpu.memory_space<vmem>>) dst(%dma_wait3A_97 : memref<10240x64xf32, #tpu.memory_space<vmem_shared>>)
        tpu.yield
      }) : () -> ()
      %add3A_70 = arith.constant 1 : i32
      %add3A_71 = arith.addi %scan3A_50, %add3A_70 : i32
      %lt3A = arith.constant 80 : i32
      %lt3A_72 = arith.cmpi slt, %add3A_71, %lt3A : i32
      %convert_element_type3A = arith.extui %lt3A_72 : i1 to i32
      %cond3A = arith.constant 0 : i32
      %cond3A_73 = arith.cmpi ne, %convert_element_type3A, %cond3A : i32
      scf.if %cond3A_73 {
        %add3A_86 = arith.constant 2 : i32
        %add3A_87 = arith.addi %mul3A_52, %add3A_86 : i32
        %dma_start3A_88 = arith.constant 0 : i32
        %dma_start3A_89 = tpu.memref_slice %arg8[%add3A_87, %dma_start3A_88] : memref<160x128xi32, #tpu.memory_space<vmem>> -> memref<1x128xi32, #tpu.memory_space<vmem>>
        %dma_start3A_90 = tpu.memref_squeeze %dma_start3A_89 : memref<1x128xi32, #tpu.memory_space<vmem>> -> memref<128xi32, #tpu.memory_space<vmem>>
        %dma_start3A_91 = arith.constant 0 : i32
        %dma_start3A_92 = tpu.memref_slice %arg4[%mul3A_15, %dma_start3A_91] : memref<20000x64xf32, #tpu.memory_space<hbm>> -> memref<10000x64xf32, #tpu.memory_space<hbm>>
        %dma_start3A_93 = arith.constant 0 : i32
        %dma_start3A_94 = arith.constant 0 : i32
        %dma_start3A_95 = tpu.memref_slice %dma_start3A_92[%dma_start3A_93, %dma_start3A_94] : memref<10000x64xf32, #tpu.memory_space<hbm>> -> memref<10000x64xf32, #tpu.memory_space<hbm>>
        tpu.enqueue_indirect_dma source(%dma_start3A_95 : memref<10000x64xf32, #tpu.memory_space<hbm>>) target(%arg10 : memref<128x64xf32, #tpu.memory_space<vmem>>) offsets(%dma_start3A_90 : memref<128xi32, #tpu.memory_space<vmem>>) semaphore(%arg13 : memref<!tpu.dma_semaphore, #tpu.memory_space<semaphore_mem>>)
      } else {
      }
      %add3A_74 = arith.constant 1 : i32
      %add3A_75 = arith.addi %mul3A_52, %add3A_74 : i32
      %dma_wait3A_76 = arith.constant 0 : i32
      %dma_wait3A_77 = tpu.memref_slice %arg8[%add3A_75, %dma_wait3A_76] : memref<160x128xi32, #tpu.memory_space<vmem>> -> memref<1x128xi32, #tpu.memory_space<vmem>>
      %dma_wait3A_78 = tpu.memref_squeeze %dma_wait3A_77 : memref<1x128xi32, #tpu.memory_space<vmem>> -> memref<128xi32, #tpu.memory_space<vmem>>
      %dma_wait3A_79 = arith.constant 0 : i32
      %dma_wait3A_80 = tpu.memref_slice %arg4[%mul3A_15, %dma_wait3A_79] : memref<20000x64xf32, #tpu.memory_space<hbm>> -> memref<10000x64xf32, #tpu.memory_space<hbm>>
      %dma_wait3A_81 = arith.constant 0 : i32
      %dma_wait3A_82 = arith.constant 0 : i32
      %dma_wait3A_83 = tpu.memref_slice %dma_wait3A_80[%dma_wait3A_81, %dma_wait3A_82] : memref<10000x64xf32, #tpu.memory_space<hbm>> -> memref<10000x64xf32, #tpu.memory_space<hbm>>
      tpu.wait_indirect_dma semaphore(%arg14 : memref<!tpu.dma_semaphore, #tpu.memory_space<semaphore_mem>>) src(%dma_wait3A_83 : memref<10000x64xf32, #tpu.memory_space<hbm>>) dst(%arg11 : memref<128x64xf32, #tpu.memory_space<vmem>>)
      %add3A_84 = arith.constant 1 : i32
      %add3A_85 = arith.addi %mul3A_52, %add3A_84 : i32
      "tpu.region"() ({
        %run_scoped3A = tpu.sem_alloc : memref<!tpu.dma_semaphore, #tpu.memory_space<semaphore_mem>>
        %dma_start3A_86 = arith.constant 0 : i32
        %dma_start3A_87 = tpu.memref_slice %arg9[%add3A_85, %dma_start3A_86] : memref<160x128xi32, #tpu.memory_space<vmem>> -> memref<1x128xi32, #tpu.memory_space<vmem>>
        %dma_start3A_88 = tpu.memref_squeeze %dma_start3A_87 : memref<1x128xi32, #tpu.memory_space<vmem>> -> memref<128xi32, #tpu.memory_space<vmem>>
        %dma_start3A_89 = arith.constant 0 : i32
        %dma_start3A_90 = arith.constant 0 : i32
        %dma_start3A_91 = tpu.memref_slice %arg12[%dma_start3A_89, %dma_start3A_90] : memref<10240x64xf32, #tpu.memory_space<vmem_shared>> -> memref<10240x64xf32, #tpu.memory_space<vmem_shared>>
        tpu.enqueue_indirect_dma source(%arg11 : memref<128x64xf32, #tpu.memory_space<vmem>>) target(%dma_start3A_91 : memref<10240x64xf32, #tpu.memory_space<vmem_shared>>) offsets(%dma_start3A_88 : memref<128xi32, #tpu.memory_space<vmem>>) semaphore(%run_scoped3A : memref<!tpu.dma_semaphore, #tpu.memory_space<semaphore_mem>>) {add = true}
        %dma_wait3A_92 = arith.constant 0 : i32
        %dma_wait3A_93 = tpu.memref_slice %arg9[%add3A_85, %dma_wait3A_92] : memref<160x128xi32, #tpu.memory_space<vmem>> -> memref<1x128xi32, #tpu.memory_space<vmem>>
        %dma_wait3A_94 = tpu.memref_squeeze %dma_wait3A_93 : memref<1x128xi32, #tpu.memory_space<vmem>> -> memref<128xi32, #tpu.memory_space<vmem>>
        %dma_wait3A_95 = arith.constant 0 : i32
        %dma_wait3A_96 = arith.constant 0 : i32
        %dma_wait3A_97 = tpu.memref_slice %arg12[%dma_wait3A_95, %dma_wait3A_96] : memref<10240x64xf32, #tpu.memory_space<vmem_shared>> -> memref<10240x64xf32, #tpu.memory_space<vmem_shared>>
        tpu.wait_indirect_dma semaphore(%run_scoped3A : memref<!tpu.dma_semaphore, #tpu.memory_space<semaphore_mem>>) src(%arg11 : memref<128x64xf32, #tpu.memory_space<vmem>>) dst(%dma_wait3A_97 : memref<10240x64xf32, #tpu.memory_space<vmem_shared>>)
        tpu.yield
      }) : () -> ()
    }
    %scan3A_28 = arith.constant 80 : i32
    %barrier3A_29 = arith.constant 0 : index
    tpu.barrier barrier_id(%barrier3A_29)
    %add3A_30 = arith.constant 0 : i32
    %add3A_31 = arith.addi %mul3A_0, %add3A_30 : i32
    "tpu.region"() ({
      %run_scoped3A = tpu.sem_alloc : memref<!tpu.dma_semaphore, #tpu.memory_space<semaphore_mem>>
      %dma_start3A_50 = arith.constant 0 : i32
      %dma_start3A_51 = tpu.memref_slice %arg12[%add3A_31, %dma_start3A_50] : memref<10240x64xf32, #tpu.memory_space<vmem_shared>> -> memref<128x64xf32, #tpu.memory_space<vmem_shared>>
      %dma_start3A_52 = arith.constant 0 : i32
      %dma_start3A_53 = tpu.memref_slice %arg12[%add3A_31, %dma_start3A_52] : memref<10240x64xf32, #tpu.memory_space<vmem_shared>> -> memref<128x64xf32, #tpu.memory_space<vmem_shared>>
      tpu.enqueue_dma source(%dma_start3A_53 : memref<128x64xf32, #tpu.memory_space<vmem_shared>>) target(%arg10 : memref<128x64xf32, #tpu.memory_space<vmem>>) target_semaphore(%run_scoped3A : memref<!tpu.dma_semaphore, #tpu.memory_space<semaphore_mem>>)
      %dma_wait3A = arith.constant 0 : i32
      %dma_wait3A_54 = tpu.memref_slice %arg12[%add3A_31, %dma_wait3A] : memref<10240x64xf32, #tpu.memory_space<vmem_shared>> -> memref<128x64xf32, #tpu.memory_space<vmem_shared>>
      %dma_wait3A_55 = arith.constant 0 : i32
      %dma_wait3A_56 = tpu.memref_slice %arg12[%add3A_31, %dma_wait3A_55] : memref<10240x64xf32, #tpu.memory_space<vmem_shared>> -> memref<128x64xf32, #tpu.memory_space<vmem_shared>>
      tpu.wait_dma2 semaphore(%run_scoped3A : memref<!tpu.dma_semaphore, #tpu.memory_space<semaphore_mem>>) src(%dma_wait3A_56 : memref<128x64xf32, #tpu.memory_space<vmem_shared>>) dst(%arg10 : memref<128x64xf32, #tpu.memory_space<vmem>>)
      tpu.yield
    }) : () -> ()
    %add3A_32 = arith.constant 0 : i32
    %add3A_33 = arith.addi %mul3A_0, %add3A_32 : i32
    "tpu.region"() ({
      %run_scoped3A = tpu.sem_alloc : memref<!tpu.dma_semaphore, #tpu.memory_space<semaphore_mem>>
      %dma_start3A_50 = arith.constant 0 : i32
      %dma_start3A_51 = tpu.memref_slice %arg7[%arg0, %add3A_33, %dma_start3A_50] : memref<2x10240x64xf32, #tpu.memory_space<hbm>> -> memref<1x128x64xf32, #tpu.memory_space<hbm>>
      %dma_start3A_52 = tpu.memref_squeeze %dma_start3A_51 : memref<1x128x64xf32, #tpu.memory_space<hbm>> -> memref<128x64xf32, #tpu.memory_space<hbm>>
      %dma_start3A_53 = arith.constant 0 : i32
      %dma_start3A_54 = tpu.memref_slice %arg7[%arg0, %add3A_33, %dma_start3A_53] : memref<2x10240x64xf32, #tpu.memory_space<hbm>> -> memref<1x128x64xf32, #tpu.memory_space<hbm>>
      %dma_start3A_55 = tpu.memref_squeeze %dma_start3A_54 : memref<1x128x64xf32, #tpu.memory_space<hbm>> -> memref<128x64xf32, #tpu.memory_space<hbm>>
      tpu.enqueue_dma source(%arg10 : memref<128x64xf32, #tpu.memory_space<vmem>>) target(%dma_start3A_55 : memref<128x64xf32, #tpu.memory_space<hbm>>) target_semaphore(%run_scoped3A : memref<!tpu.dma_semaphore, #tpu.memory_space<semaphore_mem>>)
      %dma_wait3A = arith.constant 0 : i32
      %dma_wait3A_56 = tpu.memref_slice %arg7[%arg0, %add3A_33, %dma_wait3A] : memref<2x10240x64xf32, #tpu.memory_space<hbm>> -> memref<1x128x64xf32, #tpu.memory_space<hbm>>
      %dma_wait3A_57 = tpu.memref_squeeze %dma_wait3A_56 : memref<1x128x64xf32, #tpu.memory_space<hbm>> -> memref<128x64xf32, #tpu.memory_space<hbm>>
      %dma_wait3A_58 = arith.constant 0 : i32
      %dma_wait3A_59 = tpu.memref_slice %arg7[%arg0, %add3A_33, %dma_wait3A_58] : memref<2x10240x64xf32, #tpu.memory_space<hbm>> -> memref<1x128x64xf32, #tpu.memory_space<hbm>>
      %dma_wait3A_60 = tpu.memref_squeeze %dma_wait3A_59 : memref<1x128x64xf32, #tpu.memory_space<hbm>> -> memref<128x64xf32, #tpu.memory_space<hbm>>
      tpu.wait_dma2 semaphore(%run_scoped3A : memref<!tpu.dma_semaphore, #tpu.memory_space<semaphore_mem>>) src(%arg10 : memref<128x64xf32, #tpu.memory_space<vmem>>) dst(%dma_wait3A_60 : memref<128x64xf32, #tpu.memory_space<hbm>>)
      tpu.yield
    }) : () -> ()
    %add3A_34 = arith.constant 128 : i32
    %add3A_35 = arith.addi %mul3A_0, %add3A_34 : i32
    "tpu.region"() ({
      %run_scoped3A = tpu.sem_alloc : memref<!tpu.dma_semaphore, #tpu.memory_space<semaphore_mem>>
      %dma_start3A_50 = arith.constant 0 : i32
      %dma_start3A_51 = tpu.memref_slice %arg12[%add3A_35, %dma_start3A_50] : memref<10240x64xf32, #tpu.memory_space<vmem_shared>> -> memref<128x64xf32, #tpu.memory_space<vmem_shared>>
      %dma_start3A_52 = arith.constant 0 : i32
      %dma_start3A_53 = tpu.memref_slice %arg12[%add3A_35, %dma_start3A_52] : memref<10240x64xf32, #tpu.memory_space<vmem_shared>> -> memref<128x64xf32, #tpu.memory_space<vmem_shared>>
      tpu.enqueue_dma source(%dma_start3A_53 : memref<128x64xf32, #tpu.memory_space<vmem_shared>>) target(%arg10 : memref<128x64xf32, #tpu.memory_space<vmem>>) target_semaphore(%run_scoped3A : memref<!tpu.dma_semaphore, #tpu.memory_space<semaphore_mem>>)
      %dma_wait3A = arith.constant 0 : i32
      %dma_wait3A_54 = tpu.memref_slice %arg12[%add3A_35, %dma_wait3A] : memref<10240x64xf32, #tpu.memory_space<vmem_shared>> -> memref<128x64xf32, #tpu.memory_space<vmem_shared>>
      %dma_wait3A_55 = arith.constant 0 : i32
      %dma_wait3A_56 = tpu.memref_slice %arg12[%add3A_35, %dma_wait3A_55] : memref<10240x64xf32, #tpu.memory_space<vmem_shared>> -> memref<128x64xf32, #tpu.memory_space<vmem_shared>>
      tpu.wait_dma2 semaphore(%run_scoped3A : memref<!tpu.dma_semaphore, #tpu.memory_space<semaphore_mem>>) src(%dma_wait3A_56 : memref<128x64xf32, #tpu.memory_space<vmem_shared>>) dst(%arg10 : memref<128x64xf32, #tpu.memory_space<vmem>>)
      tpu.yield
    }) : () -> ()
    %add3A_36 = arith.constant 128 : i32
    %add3A_37 = arith.addi %mul3A_0, %add3A_36 : i32
    "tpu.region"() ({
      %run_scoped3A = tpu.sem_alloc : memref<!tpu.dma_semaphore, #tpu.memory_space<semaphore_mem>>
      %dma_start3A_50 = arith.constant 0 : i32
      %dma_start3A_51 = tpu.memref_slice %arg7[%arg0, %add3A_37, %dma_start3A_50] : memref<2x10240x64xf32, #tpu.memory_space<hbm>> -> memref<1x128x64xf32, #tpu.memory_space<hbm>>
      %dma_start3A_52 = tpu.memref_squeeze %dma_start3A_51 : memref<1x128x64xf32, #tpu.memory_space<hbm>> -> memref<128x64xf32, #tpu.memory_space<hbm>>
      %dma_start3A_53 = arith.constant 0 : i32
      %dma_start3A_54 = tpu.memref_slice %arg7[%arg0, %add3A_37, %dma_start3A_53] : memref<2x10240x64xf32, #tpu.memory_space<hbm>> -> memref<1x128x64xf32, #tpu.memory_space<hbm>>
      %dma_start3A_55 = tpu.memref_squeeze %dma_start3A_54 : memref<1x128x64xf32, #tpu.memory_space<hbm>> -> memref<128x64xf32, #tpu.memory_space<hbm>>
      tpu.enqueue_dma source(%arg10 : memref<128x64xf32, #tpu.memory_space<vmem>>) target(%dma_start3A_55 : memref<128x64xf32, #tpu.memory_space<hbm>>) target_semaphore(%run_scoped3A : memref<!tpu.dma_semaphore, #tpu.memory_space<semaphore_mem>>)
      %dma_wait3A = arith.constant 0 : i32
      %dma_wait3A_56 = tpu.memref_slice %arg7[%arg0, %add3A_37, %dma_wait3A] : memref<2x10240x64xf32, #tpu.memory_space<hbm>> -> memref<1x128x64xf32, #tpu.memory_space<hbm>>
      %dma_wait3A_57 = tpu.memref_squeeze %dma_wait3A_56 : memref<1x128x64xf32, #tpu.memory_space<hbm>> -> memref<128x64xf32, #tpu.memory_space<hbm>>
      %dma_wait3A_58 = arith.constant 0 : i32
      %dma_wait3A_59 = tpu.memref_slice %arg7[%arg0, %add3A_37, %dma_wait3A_58] : memref<2x10240x64xf32, #tpu.memory_space<hbm>> -> memref<1x128x64xf32, #tpu.memory_space<hbm>>
      %dma_wait3A_60 = tpu.memref_squeeze %dma_wait3A_59 : memref<1x128x64xf32, #tpu.memory_space<hbm>> -> memref<128x64xf32, #tpu.memory_space<hbm>>
      tpu.wait_dma2 semaphore(%run_scoped3A : memref<!tpu.dma_semaphore, #tpu.memory_space<semaphore_mem>>) src(%arg10 : memref<128x64xf32, #tpu.memory_space<vmem>>) dst(%dma_wait3A_60 : memref<128x64xf32, #tpu.memory_space<hbm>>)
      tpu.yield
    }) : () -> ()
    %add3A_38 = arith.constant 256 : i32
    %add3A_39 = arith.addi %mul3A_0, %add3A_38 : i32
    "tpu.region"() ({
      %run_scoped3A = tpu.sem_alloc : memref<!tpu.dma_semaphore, #tpu.memory_space<semaphore_mem>>
      %dma_start3A_50 = arith.constant 0 : i32
      %dma_start3A_51 = tpu.memref_slice %arg12[%add3A_39, %dma_start3A_50] : memref<10240x64xf32, #tpu.memory_space<vmem_shared>> -> memref<128x64xf32, #tpu.memory_space<vmem_shared>>
      %dma_start3A_52 = arith.constant 0 : i32
      %dma_start3A_53 = tpu.memref_slice %arg12[%add3A_39, %dma_start3A_52] : memref<10240x64xf32, #tpu.memory_space<vmem_shared>> -> memref<128x64xf32, #tpu.memory_space<vmem_shared>>
      tpu.enqueue_dma source(%dma_start3A_53 : memref<128x64xf32, #tpu.memory_space<vmem_shared>>) target(%arg10 : memref<128x64xf32, #tpu.memory_space<vmem>>) target_semaphore(%run_scoped3A : memref<!tpu.dma_semaphore, #tpu.memory_space<semaphore_mem>>)
      %dma_wait3A = arith.constant 0 : i32
      %dma_wait3A_54 = tpu.memref_slice %arg12[%add3A_39, %dma_wait3A] : memref<10240x64xf32, #tpu.memory_space<vmem_shared>> -> memref<128x64xf32, #tpu.memory_space<vmem_shared>>
      %dma_wait3A_55 = arith.constant 0 : i32
      %dma_wait3A_56 = tpu.memref_slice %arg12[%add3A_39, %dma_wait3A_55] : memref<10240x64xf32, #tpu.memory_space<vmem_shared>> -> memref<128x64xf32, #tpu.memory_space<vmem_shared>>
      tpu.wait_dma2 semaphore(%run_scoped3A : memref<!tpu.dma_semaphore, #tpu.memory_space<semaphore_mem>>) src(%dma_wait3A_56 : memref<128x64xf32, #tpu.memory_space<vmem_shared>>) dst(%arg10 : memref<128x64xf32, #tpu.memory_space<vmem>>)
      tpu.yield
    }) : () -> ()
    %add3A_40 = arith.constant 256 : i32
    %add3A_41 = arith.addi %mul3A_0, %add3A_40 : i32
    "tpu.region"() ({
      %run_scoped3A = tpu.sem_alloc : memref<!tpu.dma_semaphore, #tpu.memory_space<semaphore_mem>>
      %dma_start3A_50 = arith.constant 0 : i32
      %dma_start3A_51 = tpu.memref_slice %arg7[%arg0, %add3A_41, %dma_start3A_50] : memref<2x10240x64xf32, #tpu.memory_space<hbm>> -> memref<1x128x64xf32, #tpu.memory_space<hbm>>
      %dma_start3A_52 = tpu.memref_squeeze %dma_start3A_51 : memref<1x128x64xf32, #tpu.memory_space<hbm>> -> memref<128x64xf32, #tpu.memory_space<hbm>>
      %dma_start3A_53 = arith.constant 0 : i32
      %dma_start3A_54 = tpu.memref_slice %arg7[%arg0, %add3A_41, %dma_start3A_53] : memref<2x10240x64xf32, #tpu.memory_space<hbm>> -> memref<1x128x64xf32, #tpu.memory_space<hbm>>
      %dma_start3A_55 = tpu.memref_squeeze %dma_start3A_54 : memref<1x128x64xf32, #tpu.memory_space<hbm>> -> memref<128x64xf32, #tpu.memory_space<hbm>>
      tpu.enqueue_dma source(%arg10 : memref<128x64xf32, #tpu.memory_space<vmem>>) target(%dma_start3A_55 : memref<128x64xf32, #tpu.memory_space<hbm>>) target_semaphore(%run_scoped3A : memref<!tpu.dma_semaphore, #tpu.memory_space<semaphore_mem>>)
      %dma_wait3A = arith.constant 0 : i32
      %dma_wait3A_56 = tpu.memref_slice %arg7[%arg0, %add3A_41, %dma_wait3A] : memref<2x10240x64xf32, #tpu.memory_space<hbm>> -> memref<1x128x64xf32, #tpu.memory_space<hbm>>
      %dma_wait3A_57 = tpu.memref_squeeze %dma_wait3A_56 : memref<1x128x64xf32, #tpu.memory_space<hbm>> -> memref<128x64xf32, #tpu.memory_space<hbm>>
      %dma_wait3A_58 = arith.constant 0 : i32
      %dma_wait3A_59 = tpu.memref_slice %arg7[%arg0, %add3A_41, %dma_wait3A_58] : memref<2x10240x64xf32, #tpu.memory_space<hbm>> -> memref<1x128x64xf32, #tpu.memory_space<hbm>>
      %dma_wait3A_60 = tpu.memref_squeeze %dma_wait3A_59 : memref<1x128x64xf32, #tpu.memory_space<hbm>> -> memref<128x64xf32, #tpu.memory_space<hbm>>
      tpu.wait_dma2 semaphore(%run_scoped3A : memref<!tpu.dma_semaphore, #tpu.memory_space<semaphore_mem>>) src(%arg10 : memref<128x64xf32, #tpu.memory_space<vmem>>) dst(%dma_wait3A_60 : memref<128x64xf32, #tpu.memory_space<hbm>>)
      tpu.yield
    }) : () -> ()
    %add3A_42 = arith.constant 384 : i32
    %add3A_43 = arith.addi %mul3A_0, %add3A_42 : i32
    "tpu.region"() ({
      %run_scoped3A = tpu.sem_alloc : memref<!tpu.dma_semaphore, #tpu.memory_space<semaphore_mem>>
      %dma_start3A_50 = arith.constant 0 : i32
      %dma_start3A_51 = tpu.memref_slice %arg12[%add3A_43, %dma_start3A_50] : memref<10240x64xf32, #tpu.memory_space<vmem_shared>> -> memref<128x64xf32, #tpu.memory_space<vmem_shared>>
      %dma_start3A_52 = arith.constant 0 : i32
      %dma_start3A_53 = tpu.memref_slice %arg12[%add3A_43, %dma_start3A_52] : memref<10240x64xf32, #tpu.memory_space<vmem_shared>> -> memref<128x64xf32, #tpu.memory_space<vmem_shared>>
      tpu.enqueue_dma source(%dma_start3A_53 : memref<128x64xf32, #tpu.memory_space<vmem_shared>>) target(%arg10 : memref<128x64xf32, #tpu.memory_space<vmem>>) target_semaphore(%run_scoped3A : memref<!tpu.dma_semaphore, #tpu.memory_space<semaphore_mem>>)
      %dma_wait3A = arith.constant 0 : i32
      %dma_wait3A_54 = tpu.memref_slice %arg12[%add3A_43, %dma_wait3A] : memref<10240x64xf32, #tpu.memory_space<vmem_shared>> -> memref<128x64xf32, #tpu.memory_space<vmem_shared>>
      %dma_wait3A_55 = arith.constant 0 : i32
      %dma_wait3A_56 = tpu.memref_slice %arg12[%add3A_43, %dma_wait3A_55] : memref<10240x64xf32, #tpu.memory_space<vmem_shared>> -> memref<128x64xf32, #tpu.memory_space<vmem_shared>>
      tpu.wait_dma2 semaphore(%run_scoped3A : memref<!tpu.dma_semaphore, #tpu.memory_space<semaphore_mem>>) src(%dma_wait3A_56 : memref<128x64xf32, #tpu.memory_space<vmem_shared>>) dst(%arg10 : memref<128x64xf32, #tpu.memory_space<vmem>>)
      tpu.yield
    }) : () -> ()
    %add3A_44 = arith.constant 384 : i32
    %add3A_45 = arith.addi %mul3A_0, %add3A_44 : i32
    "tpu.region"() ({
      %run_scoped3A = tpu.sem_alloc : memref<!tpu.dma_semaphore, #tpu.memory_space<semaphore_mem>>
      %dma_start3A_50 = arith.constant 0 : i32
      %dma_start3A_51 = tpu.memref_slice %arg7[%arg0, %add3A_45, %dma_start3A_50] : memref<2x10240x64xf32, #tpu.memory_space<hbm>> -> memref<1x128x64xf32, #tpu.memory_space<hbm>>
      %dma_start3A_52 = tpu.memref_squeeze %dma_start3A_51 : memref<1x128x64xf32, #tpu.memory_space<hbm>> -> memref<128x64xf32, #tpu.memory_space<hbm>>
      %dma_start3A_53 = arith.constant 0 : i32
      %dma_start3A_54 = tpu.memref_slice %arg7[%arg0, %add3A_45, %dma_start3A_53] : memref<2x10240x64xf32, #tpu.memory_space<hbm>> -> memref<1x128x64xf32, #tpu.memory_space<hbm>>
      %dma_start3A_55 = tpu.memref_squeeze %dma_start3A_54 : memref<1x128x64xf32, #tpu.memory_space<hbm>> -> memref<128x64xf32, #tpu.memory_space<hbm>>
      tpu.enqueue_dma source(%arg10 : memref<128x64xf32, #tpu.memory_space<vmem>>) target(%dma_start3A_55 : memref<128x64xf32, #tpu.memory_space<hbm>>) target_semaphore(%run_scoped3A : memref<!tpu.dma_semaphore, #tpu.memory_space<semaphore_mem>>)
      %dma_wait3A = arith.constant 0 : i32
      %dma_wait3A_56 = tpu.memref_slice %arg7[%arg0, %add3A_45, %dma_wait3A] : memref<2x10240x64xf32, #tpu.memory_space<hbm>> -> memref<1x128x64xf32, #tpu.memory_space<hbm>>
      %dma_wait3A_57 = tpu.memref_squeeze %dma_wait3A_56 : memref<1x128x64xf32, #tpu.memory_space<hbm>> -> memref<128x64xf32, #tpu.memory_space<hbm>>
      %dma_wait3A_58 = arith.constant 0 : i32
      %dma_wait3A_59 = tpu.memref_slice %arg7[%arg0, %add3A_45, %dma_wait3A_58] : memref<2x10240x64xf32, #tpu.memory_space<hbm>> -> memref<1x128x64xf32, #tpu.memory_space<hbm>>
      %dma_wait3A_60 = tpu.memref_squeeze %dma_wait3A_59 : memref<1x128x64xf32, #tpu.memory_space<hbm>> -> memref<128x64xf32, #tpu.memory_space<hbm>>
      tpu.wait_dma2 semaphore(%run_scoped3A : memref<!tpu.dma_semaphore, #tpu.memory_space<semaphore_mem>>) src(%arg10 : memref<128x64xf32, #tpu.memory_space<vmem>>) dst(%dma_wait3A_60 : memref<128x64xf32, #tpu.memory_space<hbm>>)
      tpu.yield
    }) : () -> ()
    %add3A_46 = arith.constant 512 : i32
    %add3A_47 = arith.addi %mul3A_0, %add3A_46 : i32
    "tpu.region"() ({
      %run_scoped3A = tpu.sem_alloc : memref<!tpu.dma_semaphore, #tpu.memory_space<semaphore_mem>>
      %dma_start3A_50 = arith.constant 0 : i32
      %dma_start3A_51 = tpu.memref_slice %arg12[%add3A_47, %dma_start3A_50] : memref<10240x64xf32, #tpu.memory_space<vmem_shared>> -> memref<128x64xf32, #tpu.memory_space<vmem_shared>>
      %dma_start3A_52 = arith.constant 0 : i32
      %dma_start3A_53 = tpu.memref_slice %arg12[%add3A_47, %dma_start3A_52] : memref<10240x64xf32, #tpu.memory_space<vmem_shared>> -> memref<128x64xf32, #tpu.memory_space<vmem_shared>>
      tpu.enqueue_dma source(%dma_start3A_53 : memref<128x64xf32, #tpu.memory_space<vmem_shared>>) target(%arg10 : memref<128x64xf32, #tpu.memory_space<vmem>>) target_semaphore(%run_scoped3A : memref<!tpu.dma_semaphore, #tpu.memory_space<semaphore_mem>>)
      %dma_wait3A = arith.constant 0 : i32
      %dma_wait3A_54 = tpu.memref_slice %arg12[%add3A_47, %dma_wait3A] : memref<10240x64xf32, #tpu.memory_space<vmem_shared>> -> memref<128x64xf32, #tpu.memory_space<vmem_shared>>
      %dma_wait3A_55 = arith.constant 0 : i32
      %dma_wait3A_56 = tpu.memref_slice %arg12[%add3A_47, %dma_wait3A_55] : memref<10240x64xf32, #tpu.memory_space<vmem_shared>> -> memref<128x64xf32, #tpu.memory_space<vmem_shared>>
      tpu.wait_dma2 semaphore(%run_scoped3A : memref<!tpu.dma_semaphore, #tpu.memory_space<semaphore_mem>>) src(%dma_wait3A_56 : memref<128x64xf32, #tpu.memory_space<vmem_shared>>) dst(%arg10 : memref<128x64xf32, #tpu.memory_space<vmem>>)
      tpu.yield
    }) : () -> ()
    %add3A_48 = arith.constant 512 : i32
    %add3A_49 = arith.addi %mul3A_0, %add3A_48 : i32
    "tpu.region"() ({
      %run_scoped3A = tpu.sem_alloc : memref<!tpu.dma_semaphore, #tpu.memory_space<semaphore_mem>>
      %dma_start3A_50 = arith.constant 0 : i32
      %dma_start3A_51 = tpu.memref_slice %arg7[%arg0, %add3A_49, %dma_start3A_50] : memref<2x10240x64xf32, #tpu.memory_space<hbm>> -> memref<1x128x64xf32, #tpu.memory_space<hbm>>
      %dma_start3A_52 = tpu.memref_squeeze %dma_start3A_51 : memref<1x128x64xf32, #tpu.memory_space<hbm>> -> memref<128x64xf32, #tpu.memory_space<hbm>>
      %dma_start3A_53 = arith.constant 0 : i32
      %dma_start3A_54 = tpu.memref_slice %arg7[%arg0, %add3A_49, %dma_start3A_53] : memref<2x10240x64xf32, #tpu.memory_space<hbm>> -> memref<1x128x64xf32, #tpu.memory_space<hbm>>
      %dma_start3A_55 = tpu.memref_squeeze %dma_start3A_54 : memref<1x128x64xf32, #tpu.memory_space<hbm>> -> memref<128x64xf32, #tpu.memory_space<hbm>>
      tpu.enqueue_dma source(%arg10 : memref<128x64xf32, #tpu.memory_space<vmem>>) target(%dma_start3A_55 : memref<128x64xf32, #tpu.memory_space<hbm>>) target_semaphore(%run_scoped3A : memref<!tpu.dma_semaphore, #tpu.memory_space<semaphore_mem>>)
      %dma_wait3A = arith.constant 0 : i32
      %dma_wait3A_56 = tpu.memref_slice %arg7[%arg0, %add3A_49, %dma_wait3A] : memref<2x10240x64xf32, #tpu.memory_space<hbm>> -> memref<1x128x64xf32, #tpu.memory_space<hbm>>
      %dma_wait3A_57 = tpu.memref_squeeze %dma_wait3A_56 : memref<1x128x64xf32, #tpu.memory_space<hbm>> -> memref<128x64xf32, #tpu.memory_space<hbm>>
      %dma_wait3A_58 = arith.constant 0 : i32
      %dma_wait3A_59 = tpu.memref_slice %arg7[%arg0, %add3A_49, %dma_wait3A_58] : memref<2x10240x64xf32, #tpu.memory_space<hbm>> -> memref<1x128x64xf32, #tpu.memory_space<hbm>>
      %dma_wait3A_60 = tpu.memref_squeeze %dma_wait3A_59 : memref<1x128x64xf32, #tpu.memory_space<hbm>> -> memref<128x64xf32, #tpu.memory_space<hbm>>
      tpu.wait_dma2 semaphore(%run_scoped3A : memref<!tpu.dma_semaphore, #tpu.memory_space<semaphore_mem>>) src(%arg10 : memref<128x64xf32, #tpu.memory_space<vmem>>) dst(%dma_wait3A_60 : memref<128x64xf32, #tpu.memory_space<hbm>>)
      tpu.yield
    }) : () -> ()
    return
  }
}

module attributes {stable_mosaic.version = 14 : i64} {
  func.func @_mm_body(%arg0: i32, %arg1: memref<1000x128xf32, #tpu.memory_space<vmem>>, %arg2: memref<128x128xf32, #tpu.memory_space<vmem>>, %arg3: memref<2x1000x64xf32, #tpu.memory_space<vmem>>) attributes {dimension_semantics = [#tpu.dimension_semantics<arbitrary>], iteration_bounds = array<i64: 10>, scalar_prefetch = 0 : i64, scratch_operands = 0 : i64, tpu.core_type = #tpu.core_type<tc>, window_params = [{transform_indices = @transform_0, window_bounds = array<i64: 1000, 128>}, {pipeline_mode = #tpu.pipeline_mode<synchronous>, transform_indices = @transform_1, window_bounds = array<i64: 128, 128>}, {transform_indices = @transform_2, window_bounds = array<i64: 2, 1000, 64>}]} {
    %get3A = arith.constant 0 : index
    %get3A_0 = arith.constant 0 : index
    %get3A_1 = vector.load %arg1[%get3A, %get3A_0] : memref<1000x128xf32, #tpu.memory_space<vmem>>, vector<1000x128xf32>
    %get3A_2 = arith.constant 0 : index
    %get3A_3 = arith.constant 0 : index
    %get3A_4 = vector.load %arg2[%get3A_2, %get3A_3] : memref<128x128xf32, #tpu.memory_space<vmem>>, vector<128x128xf32>
    %dot_general3A = arith.constant dense<0.000000e+00> : vector<1000x128xf32>
    %dot_general3A_5 = tpu.matmul %get3A_1, %get3A_4, %dot_general3A {dimension_numbers = #tpu.dot_dimension_numbers<[1], [0], [0], [1], [0, 0, 1, 1], [], []>, transpose_lhs_hint = false} : vector<1000x128xf32>, vector<128x128xf32>, vector<1000x128xf32> -> vector<1000x128xf32>
    %slice3A = vector.extract_strided_slice %dot_general3A_5 {offsets = [0, 0], sizes = [1000, 64], strides = [1, 1]} : vector<1000x128xf32> to vector<1000x64xf32>
    %swap3A = arith.constant 0 : index
    %swap3A_6 = arith.constant 0 : index
    %swap3A_7 = arith.constant 0 : index
    %swap3A_8 = vector.load %arg3[%swap3A, %swap3A_6, %swap3A_7] : memref<2x1000x64xf32, #tpu.memory_space<vmem>>, vector<1x1000x64xf32>
    %swap3A_9 = vector.shape_cast %swap3A_8 : vector<1x1000x64xf32> to vector<1000x64xf32>
    %swap3A_10 = vector.shape_cast %slice3A : vector<1000x64xf32> to vector<1x1000x64xf32>
    tpu.vector_store %arg3[%swap3A, %swap3A_6, %swap3A_7], %swap3A_10 {strides = array<i32>} : memref<2x1000x64xf32, #tpu.memory_space<vmem>>, vector<1x1000x64xf32>,
    %slice3A_11 = vector.extract_strided_slice %dot_general3A_5 {offsets = [0, 64], sizes = [1000, 64], strides = [1, 1]} : vector<1000x128xf32> to vector<1000x64xf32>
    %swap3A_12 = arith.constant 1 : index
    %swap3A_13 = arith.constant 0 : index
    %swap3A_14 = arith.constant 0 : index
    %swap3A_15 = vector.load %arg3[%swap3A_12, %swap3A_13, %swap3A_14] : memref<2x1000x64xf32, #tpu.memory_space<vmem>>, vector<1x1000x64xf32>
    %swap3A_16 = vector.shape_cast %swap3A_15 : vector<1x1000x64xf32> to vector<1000x64xf32>
    %swap3A_17 = vector.shape_cast %slice3A_11 : vector<1000x64xf32> to vector<1x1000x64xf32>
    tpu.vector_store %arg3[%swap3A_12, %swap3A_13, %swap3A_14], %swap3A_17 {strides = array<i32>} : memref<2x1000x64xf32, #tpu.memory_space<vmem>>, vector<1x1000x64xf32>,
    return
  }
  func.func @transform_0(%arg0: i32) -> (i32, i32) {
    %c0_i32 = arith.constant 0 : i32
    %c0_i32_0 = arith.constant 0 : i32
    return %arg0, %c0_i32 : i32, i32
  }
  func.func @transform_1(%arg0: i32) -> (i32, i32) {
    %c0_i32 = arith.constant 0 : i32
    %c0_i32_0 = arith.constant 0 : i32
    %c0_i32_1 = arith.constant 0 : i32
    return %c0_i32, %c0_i32_0 : i32, i32
  }
  func.func @transform_2(%arg0: i32) -> (i32, i32, i32) {
    %c0_i32 = arith.constant 0 : i32
    %c0_i32_0 = arith.constant 0 : i32
    %c0_i32_1 = arith.constant 0 : i32
    return %c0_i32, %arg0, %c0_i32_0 : i32, i32, i32
  }
}

module attributes {stable_mosaic.version = 14 : i64} {
  func.func @_mid_body(%arg0: i32, %arg1: memref<2x1000x64xf32, #tpu.memory_space<vmem>>, %arg2: memref<2x1000x64xf32, #tpu.memory_space<vmem>>, %arg3: memref<2x1000x16xf32, #tpu.memory_space<vmem>>, %arg4: memref<128x128xf32, #tpu.memory_space<vmem>>, %arg5: memref<1x128xf32, #tpu.memory_space<vmem>>, %arg6: memref<2x1000x64xf32, #tpu.memory_space<vmem>>) attributes {dimension_semantics = [#tpu.dimension_semantics<arbitrary>], iteration_bounds = array<i64: 10>, scalar_prefetch = 0 : i64, scratch_operands = 0 : i64, tpu.core_type = #tpu.core_type<tc>, window_params = [{transform_indices = @transform_0, window_bounds = array<i64: 2, 1000, 64>}, {transform_indices = @transform_1, window_bounds = array<i64: 2, 1000, 64>}, {transform_indices = @transform_2, window_bounds = array<i64: 2, 1000, 16>}, {pipeline_mode = #tpu.pipeline_mode<synchronous>, transform_indices = @transform_3, window_bounds = array<i64: 128, 128>}, {pipeline_mode = #tpu.pipeline_mode<synchronous>, transform_indices = @transform_4, window_bounds = array<i64: 1, 128>}, {transform_indices = @transform_5, window_bounds = array<i64: 2, 1000, 64>}]} {
    %get3A = arith.constant 0 : index
    %get3A_0 = arith.constant 0 : index
    %get3A_1 = arith.constant 0 : index
    %get3A_2 = vector.load %arg1[%get3A, %get3A_0, %get3A_1] : memref<2x1000x64xf32, #tpu.memory_space<vmem>>, vector<1x1000x64xf32>
    %get3A_3 = vector.shape_cast %get3A_2 : vector<1x1000x64xf32> to vector<1000x64xf32>
    %get3A_4 = arith.constant 0 : index
    %get3A_5 = arith.constant 0 : index
    %get3A_6 = arith.constant 0 : index
    %get3A_7 = vector.load %arg2[%get3A_4, %get3A_5, %get3A_6] : memref<2x1000x64xf32, #tpu.memory_space<vmem>>, vector<1x1000x64xf32>
    %get3A_8 = vector.shape_cast %get3A_7 : vector<1x1000x64xf32> to vector<1000x64xf32>
    %add3A = arith.addf %get3A_3, %get3A_8 : vector<1000x64xf32>
    %get3A_9 = arith.constant 1 : index
    %get3A_10 = arith.constant 0 : index
    %get3A_11 = arith.constant 0 : index
    %get3A_12 = vector.load %arg1[%get3A_9, %get3A_10, %get3A_11] : memref<2x1000x64xf32, #tpu.memory_space<vmem>>, vector<1x1000x64xf32>
    %get3A_13 = vector.shape_cast %get3A_12 : vector<1x1000x64xf32> to vector<1000x64xf32>
    %get3A_14 = arith.constant 1 : index
    %get3A_15 = arith.constant 0 : index
    %get3A_16 = arith.constant 0 : index
    %get3A_17 = vector.load %arg2[%get3A_14, %get3A_15, %get3A_16] : memref<2x1000x64xf32, #tpu.memory_space<vmem>>, vector<1x1000x64xf32>
    %get3A_18 = vector.shape_cast %get3A_17 : vector<1x1000x64xf32> to vector<1000x64xf32>
    %add3A_19 = arith.addf %get3A_13, %get3A_18 : vector<1000x64xf32>
    %concatenate3A = tpu.concatenate %add3A, %add3A_19 in 1 : vector<1000x64xf32>, vector<1000x64xf32> -> vector<1000x128xf32>
    %get3A_20 = arith.constant 0 : index
    %get3A_21 = arith.constant 0 : index
    %get3A_22 = arith.constant 0 : index
    %get3A_23 = vector.load %arg3[%get3A_20, %get3A_21, %get3A_22] : memref<2x1000x16xf32, #tpu.memory_space<vmem>>, vector<1x1000x16xf32>
    %get3A_24 = vector.shape_cast %get3A_23 : vector<1x1000x16xf32> to vector<1000x16xf32>
    %slice3A = vector.extract_strided_slice %get3A_24 {offsets = [0, 0], sizes = [1000, 1], strides = [1, 1]} : vector<1000x16xf32> to vector<1000x1xf32>
    %get3A_25 = arith.constant 1 : index
    %get3A_26 = arith.constant 0 : index
    %get3A_27 = arith.constant 0 : index
    %get3A_28 = vector.load %arg3[%get3A_25, %get3A_26, %get3A_27] : memref<2x1000x16xf32, #tpu.memory_space<vmem>>, vector<1x1000x16xf32>
    %get3A_29 = vector.shape_cast %get3A_28 : vector<1x1000x16xf32> to vector<1000x16xf32>
    %slice3A_30 = vector.extract_strided_slice %get3A_29 {offsets = [0, 0], sizes = [1000, 1], strides = [1, 1]} : vector<1000x16xf32> to vector<1000x1xf32>
    %add3A_31 = arith.addf %slice3A, %slice3A_30 : vector<1000x1xf32>
    %add3A_32 = arith.constant 1.000000e+00 : f32
    %add3A_33 = vector.broadcast %add3A_32 : f32 to vector<1000x1xf32>
    %add3A_34 = arith.addf %add3A_31, %add3A_33 : vector<1000x1xf32>
    %div3A = arith.constant 1.000000e+00 : f32
    %div3A_35 = vector.broadcast %div3A : f32 to vector<1000x1xf32>
    %div3A_36 = arith.divf %div3A_35, %add3A_34 : vector<1000x1xf32>
    %mul3A = vector.broadcast %div3A_36 : vector<1000x1xf32> to vector<1000x128xf32>
    %mul3A_37 = arith.mulf %concatenate3A, %mul3A : vector<1000x128xf32>
    %get3A_38 = arith.constant 0 : index
    %get3A_39 = arith.constant 0 : index
    %get3A_40 = vector.load %arg5[%get3A_38, %get3A_39] : memref<1x128xf32, #tpu.memory_space<vmem>>, vector<1x128xf32>
    %add3A_41 = vector.broadcast %get3A_40 : vector<1x128xf32> to vector<1000x128xf32>
    %add3A_42 = arith.addf %mul3A_37, %add3A_41 : vector<1000x128xf32>
    %max3A = arith.constant 0.000000e+00 : f32
    %max3A_43 = vector.broadcast %max3A : f32 to vector<1000x128xf32>
    %max3A_44 = arith.maximumf %add3A_42, %max3A_43 : vector<1000x128xf32>
    %get3A_45 = arith.constant 0 : index
    %get3A_46 = arith.constant 0 : index
    %get3A_47 = vector.load %arg4[%get3A_45, %get3A_46] : memref<128x128xf32, #tpu.memory_space<vmem>>, vector<128x128xf32>
    %dot_general3A = arith.constant dense<0.000000e+00> : vector<1000x128xf32>
    %dot_general3A_48 = tpu.matmul %max3A_44, %get3A_47, %dot_general3A {dimension_numbers = #tpu.dot_dimension_numbers<[1], [0], [0], [1], [0, 0, 1, 1], [], []>, transpose_lhs_hint = false} : vector<1000x128xf32>, vector<128x128xf32>, vector<1000x128xf32> -> vector<1000x128xf32>
    %slice3A_49 = vector.extract_strided_slice %dot_general3A_48 {offsets = [0, 0], sizes = [1000, 64], strides = [1, 1]} : vector<1000x128xf32> to vector<1000x64xf32>
    %swap3A = arith.constant 0 : index
    %swap3A_50 = arith.constant 0 : index
    %swap3A_51 = arith.constant 0 : index
    %swap3A_52 = vector.load %arg6[%swap3A, %swap3A_50, %swap3A_51] : memref<2x1000x64xf32, #tpu.memory_space<vmem>>, vector<1x1000x64xf32>
    %swap3A_53 = vector.shape_cast %swap3A_52 : vector<1x1000x64xf32> to vector<1000x64xf32>
    %swap3A_54 = vector.shape_cast %slice3A_49 : vector<1000x64xf32> to vector<1x1000x64xf32>
    tpu.vector_store %arg6[%swap3A, %swap3A_50, %swap3A_51], %swap3A_54 {strides = array<i32>} : memref<2x1000x64xf32, #tpu.memory_space<vmem>>, vector<1x1000x64xf32>,
    %slice3A_55 = vector.extract_strided_slice %dot_general3A_48 {offsets = [0, 64], sizes = [1000, 64], strides = [1, 1]} : vector<1000x128xf32> to vector<1000x64xf32>
    %swap3A_56 = arith.constant 1 : index
    %swap3A_57 = arith.constant 0 : index
    %swap3A_58 = arith.constant 0 : index
    %swap3A_59 = vector.load %arg6[%swap3A_56, %swap3A_57, %swap3A_58] : memref<2x1000x64xf32, #tpu.memory_space<vmem>>, vector<1x1000x64xf32>
    %swap3A_60 = vector.shape_cast %swap3A_59 : vector<1x1000x64xf32> to vector<1000x64xf32>
    %swap3A_61 = vector.shape_cast %slice3A_55 : vector<1000x64xf32> to vector<1x1000x64xf32>
    tpu.vector_store %arg6[%swap3A_56, %swap3A_57, %swap3A_58], %swap3A_61 {strides = array<i32>} : memref<2x1000x64xf32, #tpu.memory_space<vmem>>, vector<1x1000x64xf32>,
    return
  }
  func.func @transform_0(%arg0: i32) -> (i32, i32, i32) {
    %c0_i32 = arith.constant 0 : i32
    %c0_i32_0 = arith.constant 0 : i32
    %c0_i32_1 = arith.constant 0 : i32
    return %c0_i32, %arg0, %c0_i32_0 : i32, i32, i32
  }
  func.func @transform_1(%arg0: i32) -> (i32, i32, i32) {
    %c0_i32 = arith.constant 0 : i32
    %c0_i32_0 = arith.constant 0 : i32
    %c0_i32_1 = arith.constant 0 : i32
    return %c0_i32, %arg0, %c0_i32_0 : i32, i32, i32
  }
  func.func @transform_2(%arg0: i32) -> (i32, i32, i32) {
    %c0_i32 = arith.constant 0 : i32
    %c0_i32_0 = arith.constant 0 : i32
    %c0_i32_1 = arith.constant 0 : i32
    return %c0_i32, %arg0, %c0_i32_0 : i32, i32, i32
  }
  func.func @transform_3(%arg0: i32) -> (i32, i32) {
    %c0_i32 = arith.constant 0 : i32
    %c0_i32_0 = arith.constant 0 : i32
    %c0_i32_1 = arith.constant 0 : i32
    return %c0_i32, %c0_i32_0 : i32, i32
  }
  func.func @transform_4(%arg0: i32) -> (i32, i32) {
    %c0_i32 = arith.constant 0 : i32
    %c0_i32_0 = arith.constant 0 : i32
    %c0_i32_1 = arith.constant 0 : i32
    return %c0_i32, %c0_i32_0 : i32, i32
  }
  func.func @transform_5(%arg0: i32) -> (i32, i32, i32) {
    %c0_i32 = arith.constant 0 : i32
    %c0_i32_0 = arith.constant 0 : i32
    %c0_i32_1 = arith.constant 0 : i32
    return %c0_i32, %arg0, %c0_i32_0 : i32, i32, i32
  }
}

module attributes {stable_mosaic.version = 14 : i64} {
  func.func @_fin_body(%arg0: i32, %arg1: memref<2x1000x64xf32, #tpu.memory_space<vmem>>, %arg2: memref<2x1000x64xf32, #tpu.memory_space<vmem>>, %arg3: memref<2x1000x16xf32, #tpu.memory_space<vmem>>, %arg4: memref<1x128xf32, #tpu.memory_space<vmem>>, %arg5: memref<1000x128xf32, #tpu.memory_space<vmem>>) attributes {dimension_semantics = [#tpu.dimension_semantics<arbitrary>], iteration_bounds = array<i64: 10>, scalar_prefetch = 0 : i64, scratch_operands = 0 : i64, tpu.core_type = #tpu.core_type<tc>, window_params = [{transform_indices = @transform_0, window_bounds = array<i64: 2, 1000, 64>}, {transform_indices = @transform_1, window_bounds = array<i64: 2, 1000, 64>}, {transform_indices = @transform_2, window_bounds = array<i64: 2, 1000, 16>}, {pipeline_mode = #tpu.pipeline_mode<synchronous>, transform_indices = @transform_3, window_bounds = array<i64: 1, 128>}, {transform_indices = @transform_4, window_bounds = array<i64: 1000, 128>}]} {
    %get3A = arith.constant 0 : index
    %get3A_0 = arith.constant 0 : index
    %get3A_1 = arith.constant 0 : index
    %get3A_2 = vector.load %arg1[%get3A, %get3A_0, %get3A_1] : memref<2x1000x64xf32, #tpu.memory_space<vmem>>, vector<1x1000x64xf32>
    %get3A_3 = vector.shape_cast %get3A_2 : vector<1x1000x64xf32> to vector<1000x64xf32>
    %get3A_4 = arith.constant 0 : index
    %get3A_5 = arith.constant 0 : index
    %get3A_6 = arith.constant 0 : index
    %get3A_7 = vector.load %arg2[%get3A_4, %get3A_5, %get3A_6] : memref<2x1000x64xf32, #tpu.memory_space<vmem>>, vector<1x1000x64xf32>
    %get3A_8 = vector.shape_cast %get3A_7 : vector<1x1000x64xf32> to vector<1000x64xf32>
    %add3A = arith.addf %get3A_3, %get3A_8 : vector<1000x64xf32>
    %get3A_9 = arith.constant 1 : index
    %get3A_10 = arith.constant 0 : index
    %get3A_11 = arith.constant 0 : index
    %get3A_12 = vector.load %arg1[%get3A_9, %get3A_10, %get3A_11] : memref<2x1000x64xf32, #tpu.memory_space<vmem>>, vector<1x1000x64xf32>
    %get3A_13 = vector.shape_cast %get3A_12 : vector<1x1000x64xf32> to vector<1000x64xf32>
    %get3A_14 = arith.constant 1 : index
    %get3A_15 = arith.constant 0 : index
    %get3A_16 = arith.constant 0 : index
    %get3A_17 = vector.load %arg2[%get3A_14, %get3A_15, %get3A_16] : memref<2x1000x64xf32, #tpu.memory_space<vmem>>, vector<1x1000x64xf32>
    %get3A_18 = vector.shape_cast %get3A_17 : vector<1x1000x64xf32> to vector<1000x64xf32>
    %add3A_19 = arith.addf %get3A_13, %get3A_18 : vector<1000x64xf32>
    %concatenate3A = tpu.concatenate %add3A, %add3A_19 in 1 : vector<1000x64xf32>, vector<1000x64xf32> -> vector<1000x128xf32>
    %get3A_20 = arith.constant 0 : index
    %get3A_21 = arith.constant 0 : index
    %get3A_22 = arith.constant 0 : index
    %get3A_23 = vector.load %arg3[%get3A_20, %get3A_21, %get3A_22] : memref<2x1000x16xf32, #tpu.memory_space<vmem>>, vector<1x1000x16xf32>
    %get3A_24 = vector.shape_cast %get3A_23 : vector<1x1000x16xf32> to vector<1000x16xf32>
    %slice3A = vector.extract_strided_slice %get3A_24 {offsets = [0, 0], sizes = [1000, 1], strides = [1, 1]} : vector<1000x16xf32> to vector<1000x1xf32>
    %get3A_25 = arith.constant 1 : index
    %get3A_26 = arith.constant 0 : index
    %get3A_27 = arith.constant 0 : index
    %get3A_28 = vector.load %arg3[%get3A_25, %get3A_26, %get3A_27] : memref<2x1000x16xf32, #tpu.memory_space<vmem>>, vector<1x1000x16xf32>
    %get3A_29 = vector.shape_cast %get3A_28 : vector<1x1000x16xf32> to vector<1000x16xf32>
    %slice3A_30 = vector.extract_strided_slice %get3A_29 {offsets = [0, 0], sizes = [1000, 1], strides = [1, 1]} : vector<1000x16xf32> to vector<1000x1xf32>
    %add3A_31 = arith.addf %slice3A, %slice3A_30 : vector<1000x1xf32>
    %add3A_32 = arith.constant 1.000000e+00 : f32
    %add3A_33 = vector.broadcast %add3A_32 : f32 to vector<1000x1xf32>
    %add3A_34 = arith.addf %add3A_31, %add3A_33 : vector<1000x1xf32>
    %div3A = arith.constant 1.000000e+00 : f32
    %div3A_35 = vector.broadcast %div3A : f32 to vector<1000x1xf32>
    %div3A_36 = arith.divf %div3A_35, %add3A_34 : vector<1000x1xf32>
    %mul3A = vector.broadcast %div3A_36 : vector<1000x1xf32> to vector<1000x128xf32>
    %mul3A_37 = arith.mulf %concatenate3A, %mul3A : vector<1000x128xf32>
    %get3A_38 = arith.constant 0 : index
    %get3A_39 = arith.constant 0 : index
    %get3A_40 = vector.load %arg4[%get3A_38, %get3A_39] : memref<1x128xf32, #tpu.memory_space<vmem>>, vector<1x128xf32>
    %add3A_41 = vector.broadcast %get3A_40 : vector<1x128xf32> to vector<1000x128xf32>
    %add3A_42 = arith.addf %mul3A_37, %add3A_41 : vector<1000x128xf32>
    %swap3A = arith.constant 0 : index
    %swap3A_43 = arith.constant 0 : index
    %swap3A_44 = vector.load %arg5[%swap3A, %swap3A_43] : memref<1000x128xf32, #tpu.memory_space<vmem>>, vector<1000x128xf32>
    tpu.vector_store %arg5[%swap3A, %swap3A_43], %add3A_42 {strides = array<i32>} : memref<1000x128xf32, #tpu.memory_space<vmem>>, vector<1000x128xf32>,
    return
  }
  func.func @transform_0(%arg0: i32) -> (i32, i32, i32) {
    %c0_i32 = arith.constant 0 : i32
    %c0_i32_0 = arith.constant 0 : i32
    %c0_i32_1 = arith.constant 0 : i32
    return %c0_i32, %arg0, %c0_i32_0 : i32, i32, i32
  }
  func.func @transform_1(%arg0: i32) -> (i32, i32, i32) {
    %c0_i32 = arith.constant 0 : i32
    %c0_i32_0 = arith.constant 0 : i32
    %c0_i32_1 = arith.constant 0 : i32
    return %c0_i32, %arg0, %c0_i32_0 : i32, i32, i32
  }
  func.func @transform_2(%arg0: i32) -> (i32, i32, i32) {
    %c0_i32 = arith.constant 0 : i32
    %c0_i32_0 = arith.constant 0 : i32
    %c0_i32_1 = arith.constant 0 : i32
    return %c0_i32, %arg0, %c0_i32_0 : i32, i32, i32
  }
  func.func @transform_3(%arg0: i32) -> (i32, i32) {
    %c0_i32 = arith.constant 0 : i32
    %c0_i32_0 = arith.constant 0 : i32
    %c0_i32_1 = arith.constant 0 : i32
    return %c0_i32, %c0_i32_0 : i32, i32
  }
  func.func @transform_4(%arg0: i32) -> (i32, i32) {
    %c0_i32 = arith.constant 0 : i32
    %c0_i32_0 = arith.constant 0 : i32
    return %arg0, %c0_i32 : i32, i32
  }
}

</mosaic_0001>

<sc_bundles>
// kernel: kernel.11.cloned.1.call-start
scs
__scs_entry_jumppad:
0x0: {  	(pc) =	sbr.rel $0x88, $3  }
0x1: {  	(tag) =	ssettag $0x0;
	lr =	simm.s32 $0x1  }
0x2: {  	[smem:$0x3F9B] =	sst lr;
	_ =	strace $0xD0000000  }
0x3: {  	_ = 	snop  }
0x4: {  	_ = 	snop  }
0x5: {  	_ = 	snop  }
0x6: {  	_ = 	snop  }
0x7: {  	_ = 	snop  }
__scs_overlays_trampoline_lowered:
0x8: {  	[smem:$0x3FAA] =	sst s0  }
0x9: {  	[smem:$0x3FAB] =	sst s1  }
0xa: {  	[smem:$0x3FAC] =	sst s2  }
0xb: {  	[smem:$0x3FAD] =	sst s3  }
0xc: {  	[smem:$0x3FAE] =	sst s4  }
0xd: {  	[smem:$0x3FAF] =	sst s5  }
0xe: {  	[smem:$0x3FB0] =	sst s6  }
0xf: {  	[smem:$0x3FB1] =	sst s7  }
0x10: {  	[smem:$0x3FB2] =	sst s8  }
0x11: {  	[smem:$0x3FB3] =	sst s9;
	s0 =	simm.s32 @!p0 $0x0  }
0x12: {  	s1 =	sld [smem:$0x3F99];
	s0 =	simm.s32 @p0 $0x1  }
0x13: {  	[smem:$0x3FB4] =	sst s0;
	s0 =	simm.s32 @!p1 $0x0  }
0x14: {  	s2 =	sld [smem:$0x3F98];
	s0 =	simm.s32 @p1 $0x1  }
0x15: {  	[smem:$0x3FB5] =	sst s0;
	s0 =	simm.s32 @!p2 $0x0  }
0x16: {  	s3 =	sld [smem:$0x3FDB];
	s0 =	simm.s32 @p2 $0x1  }
0x17: {  	s4 =	simm.s32 $0x1BF5;
	[smem:$0x3FB7] =	sst s0  }
0x18: {  	s0 =	sld [smem:$0x3F9A];
	_ =	swait.ge [sflag:s4], $0x0  }
0x19: {  	s7 =	sld [smem:$0x3F9B]  }
0x1a: {  	s8 =	sadd.s32 $0xFFFFE003, lr  }
0x1b: {  	s9 =	sadd.s32 $0xFFFFFEF7, lr;
	s5 =	simm.s32 $0xFFFFFFFF;
	p2 =	slt.u32 s8, $0xFFFFF086  }
0x1c: {  	p1 =	slt.u32 s9, $0xF7A;
	s5 =	simm.s32 @!p2 $0x0  }
0x1d: {  	s5 =	simm.s32 @p1 $0x1;
	p0 =	seq.s32 s7, s2  }
0x1e: {  	s7 =	smul.u32 @!p0 $0xF7A, s2;
	p2 =	seq.s32 @!p0 s5, $0x0  }
0x1f: {  	s9 =	smul.u32 $0xF7A, s1;
	s8 =	simm.s32 @!p0 $0x1BF5;
	p2 =	por !p2, p0  }
0x20: {  	[sflag:s8] =	ssyncset.s32 @!p0 $0xFFFFF086;
	s6 =	sadd.s32 @!p0 s3, s7;
	s7 =	simm.s32 @!p0 $0x108  }
0x21: {  	s3 =	sadd.s32 s3, s9;
	s6 =	sadd.s32 @!p0 $0x88, s6;
	s7 =	simm.s32 @p2 $0x1082  }
0x22: {  	[simem:s7], [sflag:s8] =	dma.local @!p0 [hbm:s6], $0xF7A  }
0x23: {  	s9 =	sor.u32 $0xD0000000, s2;
	s6 =	simm.s32 $0x108;
	_ =	swait.ge @!p0 [sflag:s8], $0x0  }
0x24: {  	s3 =	sadd.s32 $0x88, s3;
	s6 =	simm.s32 @!p1 $0x1082;
	[sflag:s4] =	ssyncset.s32 $0xFFFFF086  }
0x25: {  	[simem:s6], [sflag:s4] =	dma.local [hbm:s3], $0xF7A  }
0x26: {  	[smem:$0x3F9B] =	sst s1;
	(tag) =	ssettag s2;
	_ =	strace s9  }
0x27: {  	s1 =	sld [smem:$0x3FAB]  }
0x28: {  	s2 =	sld [smem:$0x3FAC]  }
0x29: {  	s4 =	sld [smem:$0x3FAE]  }
0x2a: {  	p0 =	seq.s32 s5, $0x0;
	s5 =	sld [smem:$0x3FAF]  }
0x2b: {  	s6 =	sld [smem:$0x3FB0]  }
0x2c: {  	s7 =	sld [smem:$0x3FB1]  }
0x2d: {  	s3 =	simm.s32 $0x108;
	s8 =	sld [smem:$0x3FB2]  }
0x2e: {  	s3 =	simm.s32 @!p0 $0x1082;
	s9 =	sld [smem:$0x3FB3]  }
0x2f: {  	lr =	sadd.s32 s0, s3;
	s0 =	sld [smem:$0x3FAA]  }
0x30: {  	s3 =	sld [smem:$0x3FAD]  }
0x31: {  	[smem:$0x3FB6] =	sst s10  }
0x32: {  	s10 =	sld [smem:$0x3FB4];
	_ =	sdelay $0x3  }
0x33: {  	p0 =	seq.s32 s10, $0x1;
	s10 =	sld [smem:$0x3FB6];
	_ =	sdelay $0x3  }
0x34: {  	[smem:$0x3FB6] =	sst s10  }
0x35: {  	s10 =	sld [smem:$0x3FB5];
	_ =	sdelay $0x3  }
0x36: {  	p1 =	seq.s32 s10, $0x1;
	s10 =	sld [smem:$0x3FB6];
	_ =	sdelay $0x3  }
0x37: {  	[smem:$0x3FB6] =	sst s10  }
0x38: {  	s10 =	sld [smem:$0x3FB7]  }
0x39: {  	_ = 	snop;
	(pc) =	sbr.ind lr, $3  }
0x3a: {  	_ = 	snop  }
0x3b: {  	_ = 	snop  }
0x3c: {  	p2 =	seq.s32 s10, $0x1;
	s10 =	sld [smem:$0x3FB6]  }
0x3d: {  	_ =	shalt  }
0x3e: {  	_ =	shalt  }
0x3f: {  	_ =	shalt  }
0x40: {  	_ =	shalt  }
0x41: {  	_ =	shalt  }
0x42: {  	_ =	shalt  }
0x43: {  	_ =	shalt  }
0x44: {  	_ =	shalt  }
0x45: {  	_ =	shalt  }
0x46: {  	_ =	shalt  }
0x47: {  	_ =	shalt  }
0x48: {  	_ =	shalt  }
0x49: {  	_ =	shalt  }
0x4a: {  	_ =	shalt  }
0x4b: {  	_ =	shalt  }
0x4c: {  	_ =	shalt  }
0x4d: {  	_ =	shalt  }
0x4e: {  	_ =	shalt  }
0x4f: {  	_ =	shalt  }
0x50: {  	_ =	shalt  }
0x51: {  	_ =	shalt  }
0x52: {  	_ =	shalt  }
0x53: {  	_ =	shalt  }
0x54: {  	_ =	shalt  }
0x55: {  	_ =	shalt  }
0x56: {  	_ =	shalt  }
0x57: {  	_ =	shalt  }
0x58: {  	_ =	shalt  }
0x59: {  	_ =	shalt  }
0x5a: {  	_ =	shalt  }
0x5b: {  	_ =	shalt  }
0x5c: {  	_ =	shalt  }
0x5d: {  	_ =	shalt  }
0x5e: {  	_ =	shalt  }
0x5f: {  	_ =	shalt  }
0x60: {  	_ =	shalt  }
0x61: {  	_ =	shalt  }
0x62: {  	_ =	shalt  }
0x63: {  	_ =	shalt  }
0x64: {  	_ =	shalt  }
0x65: {  	_ =	shalt  }
0x66: {  	_ =	shalt  }
0x67: {  	_ =	shalt  }
0x68: {  	_ =	shalt  }
0x69: {  	_ =	shalt  }
0x6a: {  	_ =	shalt  }
0x6b: {  	_ =	shalt  }
0x6c: {  	_ =	shalt  }
0x6d: {  	_ =	shalt  }
0x6e: {  	_ =	shalt  }
0x6f: {  	_ =	shalt  }
0x70: {  	_ =	shalt  }
0x71: {  	_ =	shalt  }
0x72: {  	_ =	shalt  }
0x73: {  	_ =	shalt  }
0x74: {  	_ =	shalt  }
0x75: {  	_ =	shalt  }
0x76: {  	_ =	shalt  }
0x77: {  	_ =	shalt  }
0x78: {  	_ =	shalt  }
0x79: {  	_ =	shalt  }
0x7a: {  	_ =	shalt  }
0x7b: {  	_ =	shalt  }
0x7c: {  	_ =	shalt  }
0x7d: {  	_ =	shalt  }
0x7e: {  	_ =	shalt  }
0x7f: {  	_ =	shalt  }
0x80: {  	_ =	shalt  }
0x81: {  	_ =	shalt  }
0x82: {  	_ =	shalt  }
0x83: {  	_ =	shalt  }
0x84: {  	_ =	shalt  }
0x85: {  	_ =	shalt  }
0x86: {  	_ =	shalt  }
0x87: {  	_ =	shalt  }
.Lfunc_end0:
.L_simem_size_0:
called_computation.1_lowered:
.L_overlay_start_0:
0x88: {  	s2 =	sld [smem:$0x3FD9]  }
0x89: {  	s3 =	sld [smem:$0x3FFE];
	_ =	sdelay $0x1  }
0x8a: {  	s1 =	srdreg.scid  }
0x8b: {  	s0 =	sand.u32 $0x1, s1  }
0x8c: {  	s17 =	sshll.u32 s0, $0xA;
	s2 =	sadd.s32 s3, s2  }
0x8d: {  	s2 =	sadd.s32 s2, s17  }
0x8e: {  	[smem:$0x3FC2] =	sst s2  }
0x8f: {  	_ = 	snop  }
0x90: {  	s2 =	sld [smem:$0x3FD0];
	(tm) =	ssettm $0x1  }
0x91: {  	s18 =	sld [smem:$0x3FFB];
	_ =	sdelay $0x3  }
0x92: {  	_ =	strace s18  }
0x93: {  	s3 =	sld [smem:$0x3FFC];
	_ =	sdelay $0x3  }
0x94: {  	_ =	strace s3  }
0x95: {  	s3 =	sld [smem:$0x3FFD];
	_ =	sdelay $0x3  }
0x96: {  	_ =	strace s3  }
0x97: {  	_ =	strace $0x8FFFFFFF  }
0x98: {  	s19 =	sld [smem:$0x3FDB];
	_ =	sdelay $0x1  }
0x99: {  	s4 =	simm.s32 $_scs_section_size  }
0x9a: {  	s5 =	simm.s32 $_size__tile_overlayer_lowered;
	s6 =	simm.s32 $_tile_overlayer_lowered  }
0x9b: {  	s22 =	simm.s32 $0x1BFF;
	s21 =	sshll.u32 s6, $0x1;
	s3 =	sadd.s32 s4, s19  }
0x9c: {  	s7 =	simm.s32 $0x0;
	s20 =	sshll.u32 s5, $0x1;
	s5 =	sadd.s32 s21, s3  }
0x9d: {  	[timem:s7], [sflag:s22] =	dma.local [hbm:s5], s20  }
0x9e: {  	_ =	swait.ge [sflag:s22], s20  }
0x9f: {  	s4 =	ssub.s32 $0x0, s20;
	[sflag:s22] =	ssyncset.done $0x0  }
0xa0: {  	[sflag:s22] =	ssyncadd.s32 s4;
	_ =	sdelay $0x1  }
0xa1: {  	s23 =	simm.s32 $0x1B8B  }
0xa2: {  	_ =	swait.ge [sflag:s23], $0x1  }
0xa3: {  	[sflag:s23] =	ssyncset.done $0x0  }
0xa4: {  	s25 =	simm.s32 $0x1B8E;
	s24 =	sld [smem:$0x3FFE];
	[sflag:s23] =	ssyncadd.s32 $0xFFFFFFFF  }
0xa5: {  	s26 =	simm.s32 $execute0_lowered;
	[smem:$0x3FD2] =	sst s25  }
0xa6: {  	s5 =	sshll.u32 s26, $0x1;
	_ =	strace $0x80000049;
	[dreg:$0x1] =	wrdreg $0xFFFFFFFF  }
0xa7: {  	s28 =	simm.s32 $_size_execute0_lowered;
	s3 =	sadd.s32 s3, s5;
	[dreg:$0x0] =	wrdreg $0x0  }
0xa8: {  	s5 =	sshll.u32 s28, $0x1;
	[dreg:$0x2] =	wrdreg s3  }
0xa9: {  	[dreg:$0x3] =	wrdreg s5  }
0xaa: {  	[dreg:$0x4] =	wrdreg $0xC0  }
0xab: {  	_ =	task [dreg:s7], $0x5FFFF  }
0xac: {  	[dreg:$0x1] =	wrdreg $0xFFFFFFFF  }
0xad: {  	[dreg:$0x0] =	wrdreg $0x60  }
0xae: {  	[dreg:$0x2] =	wrdreg s24  }
0xaf: {  	[dreg:$0x3] =	wrdreg s2  }
0xb0: {  	[dreg:$0x4] =	wrdreg $0xE0000  }
0xb1: {  	[dreg:$0x5] =	wrdreg $0x9  }
0xb2: {  	_ =	task.clear_ibuf [dreg:s7], $0x6FFFF;
	_ =	strace $0x90000049  }
0xb3: {  	s29 =	simm.s32 $0x9;
	_ =	strace $0x8000004B  }
0xb4: {  	_ =	swait.ge [sflag:s29], $0x1  }
0xb5: {  	[sflag:s29] =	ssyncadd.s32 $0xFFFFFFFF  }
0xb6: {  	_ =	strace $0x9000004B  }
0xb7: {  	_ =	sfence  }
0xb8: {  	s30 =	sld [smem:$0x0];
	_ =	sdelay $0x2  }
0xb9: {  	s31 =	sshll.u32 s1, $0xD;
	s1 =	sshrl.u32 s1, $0x2  }
0xba: {  	s3 =	sand.u32 $0x4000, s31;
	s1 =	sadd.s32 s1, s30  }
0xbb: {  	s0 =	sor.u32 s3, s0;
	s1 =	sshll.u32 s1, $0x11  }
0xbc: {  	s0 =	sor.u32 s1, s0  }
0xbd: {  	s0 =	sadd.s32 $0x8F2B, s0  }
0xbe: {  	[sflag:s0] =	ssyncadd.remote.s32 $0x1  }
0xbf: {  	_ =	sfence.sel $0xFFFF  }
0xc0: {  	[dreg:$0x0] =	wrdreg $0xFFFFFFFF;
	(pc) =	sbr.abs _section_cstart, $3  }
0xc1: {  	[dreg:$0x1] =	wrdreg $0xFFFFFFFF  }
0xc2: {  	_ =	task.clear_ibuf [dreg:s7], $0x2FFFF;
	_ =	strace $0x9FFFFFFF  }
0xc3: {  	(tm) =	ssettm $0x7FFFFFFF  }
tec
execute0_lowered:
.L_overlay_start_1:
0x0: {  	(tag) =	ssettag $0x1  }
0x1: {  	s0 =	rddreg [dreg:$0x0]  }
0x2: {  	s12 =	rddreg [dreg:$0x1]  }
0x3: {  	s2 =	rddreg [dreg:$0x2];
	s3 =	simm.s32 $0x0;
	s1 =	stileid.u32  }
0x4: {  	s5 =	srdreg.scid;
	s22 =	simm.s32 $0x80;
	s28 =	simm.s32 $0x9F00  }
0x5: {  	s29 =	simm.s32 $0x9F80;
	s30 =	simm.s32 $0x0;
	s4 =	smul.u32 $0xA00, s1  }
0x6: {  	[smem:$0x7FF] =	sst s3;
	s11 =	sand.u32 $0x1, s5;
	s14 =	smul.u32 $0xA000, s1  }
0x7: {  	_ =	strace $0x8000004A;
	s5 =	ssub.s32 $0x2, s11;
	s20 =	smul.u32 $0xA0000, s11  }
0x8: {  	s21 =	smul.u32 $0x13880, s11;
	s13 =	sadd.s32 s4, s0;
	s4 =	sadd.s32 $0x15800, s0  }
0x9: {  	s0 =	sadd.s32 $0x20000, s0;
	s6 =	sshrl.u32 s5, $0x1;
	s15 =	sadd.s32 $0x2000, s14  }
0xa: {  	s16 =	sadd.s32 $0x4000, s14;
	s17 =	sadd.s32 $0x6000, s14;
	s19 =	sadd.s32 $0x8000, s14  }
0xb: {  	s18 =	ssub.s32 s5, s6;
	s5 =	sadd.s32 s14, s2;
	s6 =	sadd.s32 s15, s2  }
0xc: {  	s7 =	sadd.s32 s16, s2;
	s8 =	sadd.s32 s17, s2;
	s9 =	sadd.s32 s19, s2  }
0xd: {  	s10 =	sadd.s32 $0x1800, s13;
	s14 =	sadd.s32 s14, s20;
	s15 =	sadd.s32 s20, s15  }
0xe: {  	s11 =	sadd.s32 $0xB800, s13;
	s12 =	sadd.s32 s12, s21;
	s25 =	sadd.s32 s20, s16  }
0xf: {  	s26 =	sadd.s32 s20, s17;
	s31 =	sadd.s32 s20, s19;
	s19 =	simm.s32 $0xA000  }
0x10: {  	s20 =	simm.s32 $0x3;
	s23 =	sshrl.u32 s14, $0x3;
	s24 =	sshrl.u32 s15, $0x3  }
0x11: {  	s15 =	sshrl.u32 s25, $0x3;
	s16 =	sshrl.u32 s26, $0x3;
	s17 =	sshrl.u32 s31, $0x3  }
0x12: {  	s18 =	smax.u32 s18, $0x1;
	s25 =	simm.s32 $0x2;
	s13 =	sadd.s32 s0, s23  }
0x13: {  	s14 =	sadd.s32 s0, s24;
	s15 =	sadd.s32 s0, s15;
	s16 =	sadd.s32 s0, s16  }
0x14: {  	s17 =	sadd.s32 s0, s17;
	s23 =	simm.s32 $0xC000;
	s24 =	simm.s32 $0x1  }
.LBB2_1:
0x15: {  	[tilespmem:s19], [sflag:$0x3] =	stream.linear.gather [hbm4b:s4+s3], $0x2000, $0x38;
	[tilespmem:$0x18000] =	vst v63  }
0x16: {  	_ =	swait.ge [sflag:s20], $0x2000  }
0x17: {  	[sflag:s20] =	ssyncset.done $0x0  }
0x18: {  	[sflag:s20] =	ssyncadd.s32 $0xFFFFE000  }
0x19: {  	[spmem:s5] =	stream.linear.scatter [tilespmem:s19], [sflag:$0x3], $0x2000, $0x38;
	[tilespmem:$0x18000] =	vst v63  }
0x1a: {  	_ =	swait.ge [sflag:s20], $0x2000  }
0x1b: {  	[sflag:s20] =	ssyncset.done $0x0  }
0x1c: {  	[sflag:s20] =	ssyncadd.s32 $0xFFFFE000  }
0x1d: {  	[spmem:s6] =	stream.linear.scatter [tilespmem:s19], [sflag:$0x3], $0x2000, $0x38;
	[tilespmem:$0x18000] =	vst v63  }
0x1e: {  	_ =	swait.ge [sflag:s20], $0x2000  }
0x1f: {  	[sflag:s20] =	ssyncset.done $0x0  }
0x20: {  	[sflag:s20] =	ssyncadd.s32 $0xFFFFE000  }
0x21: {  	[spmem:s7] =	stream.linear.scatter [tilespmem:s19], [sflag:$0x3], $0x2000, $0x38;
	[tilespmem:$0x18000] =	vst v63  }
0x22: {  	_ =	swait.ge [sflag:s20], $0x2000  }
0x23: {  	[sflag:s20] =	ssyncset.done $0x0  }
0x24: {  	[sflag:s20] =	ssyncadd.s32 $0xFFFFE000  }
0x25: {  	[spmem:s8] =	stream.linear.scatter [tilespmem:s19], [sflag:$0x3], $0x2000, $0x38;
	[tilespmem:$0x18000] =	vst v63  }
0x26: {  	_ =	swait.ge [sflag:s20], $0x2000  }
0x27: {  	[sflag:s20] =	ssyncset.done $0x0  }
0x28: {  	[sflag:s20] =	ssyncadd.s32 $0xFFFFE000  }
0x29: {  	[spmem:s9] =	stream.linear.scatter [tilespmem:s19], [sflag:$0x3], $0x2000, $0x38;
	[tilespmem:$0x18000] =	vst v63  }
0x2a: {  	_ =	swait.ge [sflag:s20], $0x2000  }
0x2b: {  	[sflag:s20] =	ssyncset.done $0x0  }
0x2c: {  	[sflag:s20] =	ssyncadd.s32 $0xFFFFE000  }
0x2d: {  	[tilespmem:s3], [sflag:$0x3] =	stream.linear.gather [hbm4b:s10+s3], $0x5000, $0x38;
	[tilespmem:$0x18000] =	vst v63  }
0x2e: {  	_ =	swait.ge [sflag:s20], $0x5000  }
0x2f: {  	[sflag:s20] =	ssyncset.done $0x0  }
0x30: {  	s0 =	simm.s32 $0x5000;
	[sflag:s20] =	ssyncadd.s32 $0xFFFFB000  }
0x31: {  	[tilespmem:s0], [sflag:$0x3] =	stream.linear.gather [hbm4b:s11+s3], $0x5000, $0x38;
	[tilespmem:$0x18000] =	vst v63  }
0x32: {  	_ =	swait.ge [sflag:s20], $0x5000  }
0x33: {  	[sflag:s20] =	ssyncset.done $0x0  }
0x34: {  	[sflag:s20] =	ssyncadd.s32 $0xFFFFB000  }
0x35: {  	[bflag:$0x0] =	sbarrier.arrive $0xFFFF  }
0x36: {  	[tilespmem:s19], [sflag:$0x1] =	stream.indirect.gather [hbm4b:s12+s22], $0x40, s3, s22, $0xb8;
	[tilespmem:$0x18000] =	vst v63  }
0x37: {  	s26 =	simm.s32 $0x80  }
0x38: {  	[tilespmem:s23], [sflag:$0x2] =	stream.indirect.gather [hbm4b:s12+s22], $0x40, s26, s22, $0xb8;
	[tilespmem:$0x18000] =	vst v63  }
0x39: {  	_ =	swait.ge [sflag:s24], $0x2000  }
0x3a: {  	[sflag:s24] =	ssyncset.done $0x0  }
0x3b: {  	s1 =	simm.s32 $0x5000;
	[sflag:s24] =	ssyncadd.s32 $0xFFFFE000  }
0x3c: {  	[spmem:s2] =	stream.indirect.scatter.add.f32 [tilespmem:s19], [sflag:$0x3], $0x40, s1, s22, $0xb8;
	[tilespmem:$0x18000] =	vst v63  }
0x3d: {  	_ =	swait.ge [sflag:s20], $0x2000  }
0x3e: {  	[sflag:s20] =	ssyncset.done $0x0  }
0x3f: {  	s21 =	simm.s32 $0x100;
	[sflag:s20] =	ssyncadd.s32 $0xFFFFE000  }
0x40: {  	[tilespmem:s19], [sflag:$0x1] =	stream.indirect.gather [hbm4b:s12+s22], $0x40, s21, s22, $0xb8;
	[tilespmem:$0x18000] =	vst v63  }
0x41: {  	_ =	swait.ge [sflag:s25], $0x2000  }
0x42: {  	[sflag:s25] =	ssyncset.done $0x0  }
0x43: {  	s26 =	simm.s32 $0x5080;
	[sflag:s25] =	ssyncadd.s32 $0xFFFFE000  }
0x44: {  	[spmem:s2] =	stream.indirect.scatter.add.f32 [tilespmem:s23], [sflag:$0x3], $0x40, s26, s22, $0xb8;
	[tilespmem:$0x18000] =	vst v63  }
0x45: {  	_ =	swait.ge [sflag:s20], $0x2000  }
0x46: {  	s31 =	simm.s32 $0x100;
	s0 =	simm.s32 $0x800;
	[sflag:s20] =	ssyncset.done $0x0  }
.LBB2_2:
0x47: {  	s1 =	sadd.s32 $0x80, s31  }
0x48: {  	[sflag:s20] =	ssyncadd.s32 $0xFFFFE000;
	s21 =	smov.u32 s0;
	s26 =	sadd.s32 $0x400, s0  }
0x49: {  	[tilespmem:s23], [sflag:$0x2] =	stream.indirect.gather [hbm4b:s12+s22], $0x40, s1, s22, $0xb8;
	[tilespmem:$0x18000] =	vst v63  }
0x4a: {  	p0 =	sne.s32 s0, $0x13800;
	_ =	swait.ge [sflag:s24], $0x2000  }
0x4b: {  	[sflag:s24] =	ssyncset.done $0x0  }
0x4c: {  	s0 =	sadd.s32 $0x5000, s31;
	[sflag:s24] =	ssyncadd.s32 $0xFFFFE000  }
0x4d: {  	[spmem:s2] =	stream.indirect.scatter.add.f32 [tilespmem:s19], [sflag:$0x3], $0x40, s0, s22, $0xb8;
	[tilespmem:$0x18000] =	vst v63  }
0x4e: {  	_ =	swait.ge [sflag:s20], $0x2000  }
0x4f: {  	[sflag:s20] =	ssyncset.done $0x0  }
0x50: {  	s0 =	sadd.s32 $0x100, s31;
	[sflag:s20] =	ssyncadd.s32 $0xFFFFE000  }
0x51: {  	[tilespmem:s19], [sflag:$0x1] =	stream.indirect.gather [hbm4b:s12+s22], $0x40, s0, s22, $0xb8;
	[tilespmem:$0x18000] =	vst v63  }
0x52: {  	_ =	swait.ge [sflag:s25], $0x2000  }
.Ltmp0:
0x53: {  	[sflag:s25] =	ssyncset.done $0x0;
	(pc) =	sbr.rel @p0 .LBB2_2-.Ltmp0, $4  }
0x54: {  	s0 =	sadd.s32 $0x5080, s31;
	[sflag:s25] =	ssyncadd.s32 $0xFFFFE000  }
0x55: {  	[spmem:s2] =	stream.indirect.scatter.add.f32 [tilespmem:s23], [sflag:$0x3], $0x40, s0, s22, $0xb8;
	[tilespmem:$0x18000] =	vst v63  }
0x56: {  	_ =	swait.ge [sflag:s20], $0x2000  }
0x57: {  	s31 =	sshra.s32 s21, $0x2;
	s0 =	smov.u32 s26;
	[sflag:s20] =	ssyncset.done $0x0  }
0x58: {  	s0 =	sadd.s32 $0x80, s31;
	[sflag:s20] =	ssyncadd.s32 $0xFFFFE000  }
0x59: {  	[tilespmem:s23], [sflag:$0x2] =	stream.indirect.gather [hbm4b:s12+s22], $0x40, s0, s22, $0xb8;
	[tilespmem:$0x18000] =	vst v63  }
0x5a: {  	_ =	swait.ge [sflag:s24], $0x2000  }
0x5b: {  	[sflag:s24] =	ssyncset.done $0x0  }
0x5c: {  	s1 =	sadd.s32 $0x5000, s31;
	[sflag:s24] =	ssyncadd.s32 $0xFFFFE000  }
0x5d: {  	[spmem:s2] =	stream.indirect.scatter.add.f32 [tilespmem:s19], [sflag:$0x3], $0x40, s1, s22, $0xb8;
	[tilespmem:$0x18000] =	vst v63  }
0x5e: {  	_ =	swait.ge [sflag:s20], $0x2000  }
0x5f: {  	[sflag:s20] =	ssyncset.done $0x0  }
0x60: {  	s21 =	sadd.s32 $0x100, s31;
	[sflag:s20] =	ssyncadd.s32 $0xFFFFE000  }
0x61: {  	[tilespmem:s19], [sflag:$0x1] =	stream.indirect.gather [hbm4b:s12+s22], $0x40, s21, s22, $0xb8;
	[tilespmem:$0x18000] =	vst v63  }
0x62: {  	_ =	swait.ge [sflag:s25], $0x2000  }
0x63: {  	[sflag:s25] =	ssyncset.done $0x0  }
0x64: {  	s26 =	sadd.s32 $0x5080, s31;
	[sflag:s25] =	ssyncadd.s32 $0xFFFFE000  }
0x65: {  	[spmem:s2] =	stream.indirect.scatter.add.f32 [tilespmem:s23], [sflag:$0x3], $0x40, s26, s22, $0xb8;
	[tilespmem:$0x18000] =	vst v63  }
0x66: {  	_ =	swait.ge [sflag:s20], $0x2000  }
0x67: {  	[sflag:s20] =	ssyncset.done $0x0  }
0x68: {  	s31 =	simm.s32 $0x4F80;
	[sflag:s20] =	ssyncadd.s32 $0xFFFFE000  }
0x69: {  	[tilespmem:s23], [sflag:$0x2] =	stream.indirect.gather [hbm4b:s12+s22], $0x40, s31, s22, $0xb8;
	[tilespmem:$0x18000] =	vst v63  }
0x6a: {  	_ =	swait.ge [sflag:s24], $0x2000  }
0x6b: {  	[sflag:s24] =	ssyncset.done $0x0  }
0x6c: {  	[sflag:s24] =	ssyncadd.s32 $0xFFFFE000  }
0x6d: {  	[spmem:s2] =	stream.indirect.scatter.add.f32 [tilespmem:s19], [sflag:$0x3], $0x40, s28, s22, $0xb8;
	[tilespmem:$0x18000] =	vst v63  }
0x6e: {  	_ =	swait.ge [sflag:s20], $0x2000  }
0x6f: {  	[sflag:s20] =	ssyncset.done $0x0  }
0x70: {  	[sflag:s20] =	ssyncadd.s32 $0xFFFFE000  }
0x71: {  	_ =	swait.ge [sflag:s25], $0x2000  }
0x72: {  	[sflag:s25] =	ssyncset.done $0x0  }
0x73: {  	[sflag:s25] =	ssyncadd.s32 $0xFFFFE000  }
0x74: {  	[spmem:s2] =	stream.indirect.scatter.add.f32 [tilespmem:s23], [sflag:$0x3], $0x40, s29, s22, $0xb8;
	[tilespmem:$0x18000] =	vst v63  }
0x75: {  	_ =	swait.ge [sflag:s20], $0x2000  }
0x76: {  	[sflag:s20] =	ssyncset.done $0x0  }
0x77: {  	[sflag:s20] =	ssyncadd.s32 $0xFFFFE000  }
0x78: {  	[bflag:$0x0] =	sbarrier.arrive $0xFFFF  }
0x79: {  	[tilespmem:s19], [sflag:$0x3] =	stream.linear.gather [spmem:s5], $0x2000, $0x38;
	[tilespmem:$0x18000] =	vst v63  }
0x7a: {  	_ =	swait.ge [sflag:s20], $0x2000  }
0x7b: {  	[sflag:s20] =	ssyncset.done $0x0  }
0x7c: {  	[sflag:s20] =	ssyncadd.s32 $0xFFFFE000  }
0x7d: {  	[hbm4b:s13+s3] =	stream.linear.scatter [tilespmem:s19], [sflag:$0x3], $0x2000, $0x38;
	[tilespmem:$0x18000] =	vst v63  }
0x7e: {  	_ =	swait.ge [sflag:s20], $0x2000  }
0x7f: {  	[sflag:s20] =	ssyncset.done $0x0  }
0x80: {  	[sflag:s20] =	ssyncadd.s32 $0xFFFFE000  }
0x81: {  	[tilespmem:s19], [sflag:$0x3] =	stream.linear.gather [spmem:s6], $0x2000, $0x38;
	[tilespmem:$0x18000] =	vst v63  }
0x82: {  	_ =	swait.ge [sflag:s20], $0x2000  }
0x83: {  	[sflag:s20] =	ssyncset.done $0x0  }
0x84: {  	[sflag:s20] =	ssyncadd.s32 $0xFFFFE000  }
0x85: {  	[hbm4b:s14+s3] =	stream.linear.scatter [tilespmem:s19], [sflag:$0x3], $0x2000, $0x38;
	[tilespmem:$0x18000] =	vst v63  }
0x86: {  	_ =	swait.ge [sflag:s20], $0x2000  }
0x87: {  	[sflag:s20] =	ssyncset.done $0x0  }
0x88: {  	[sflag:s20] =	ssyncadd.s32 $0xFFFFE000  }
0x89: {  	[tilespmem:s19], [sflag:$0x3] =	stream.linear.gather [spmem:s7], $0x2000, $0x38;
	[tilespmem:$0x18000] =	vst v63  }
0x8a: {  	_ =	swait.ge [sflag:s20], $0x2000  }
0x8b: {  	[sflag:s20] =	ssyncset.done $0x0  }
0x8c: {  	[sflag:s20] =	ssyncadd.s32 $0xFFFFE000  }
0x8d: {  	[hbm4b:s15+s3] =	stream.linear.scatter [tilespmem:s19], [sflag:$0x3], $0x2000, $0x38;
	[tilespmem:$0x18000] =	vst v63  }
0x8e: {  	_ =	swait.ge [sflag:s20], $0x2000  }
0x8f: {  	[sflag:s20] =	ssyncset.done $0x0  }
0x90: {  	[sflag:s20] =	ssyncadd.s32 $0xFFFFE000  }
0x91: {  	[tilespmem:s19], [sflag:$0x3] =	stream.linear.gather [spmem:s8], $0x2000, $0x38;
	[tilespmem:$0x18000] =	vst v63  }
0x92: {  	_ =	swait.ge [sflag:s20], $0x2000  }
0x93: {  	[sflag:s20] =	ssyncset.done $0x0  }
0x94: {  	[sflag:s20] =	ssyncadd.s32 $0xFFFFE000  }
0x95: {  	[hbm4b:s16+s3] =	stream.linear.scatter [tilespmem:s19], [sflag:$0x3], $0x2000, $0x38;
	[tilespmem:$0x18000] =	vst v63  }
0x96: {  	_ =	swait.ge [sflag:s20], $0x2000  }
0x97: {  	[sflag:s20] =	ssyncset.done $0x0  }
0x98: {  	[sflag:s20] =	ssyncadd.s32 $0xFFFFE000  }
0x99: {  	[tilespmem:s19], [sflag:$0x3] =	stream.linear.gather [spmem:s9], $0x2000, $0x38;
	[tilespmem:$0x18000] =	vst v63  }
0x9a: {  	s30 =	sadd.s32 $0x1, s30;
	_ =	swait.ge [sflag:s20], $0x2000  }
0x9b: {  	p0 =	sne.s32 s30, s18;
	[sflag:s20] =	ssyncset.done $0x0  }
.Ltmp1:
0x9c: {  	[sflag:s20] =	ssyncadd.s32 $0xFFFFE000;
	(pc) =	sbr.rel @p0 .LBB2_1-.Ltmp1, $4  }
0x9d: {  	[hbm4b:s17+s3] =	stream.linear.scatter [tilespmem:s19], [sflag:$0x3], $0x2000, $0x38;
	[tilespmem:$0x18000] =	vst v63  }
0x9e: {  	_ =	swait.ge [sflag:s20], $0x2000  }
0x9f: {  	[sflag:s20] =	ssyncset.done $0x0  }
0xa0: {  	[sflag:s20] =	ssyncadd.s32 $0xFFFFE000  }
0xa1: {  	_ =	sfence.sel $0x180000  }
0xa2: {  	[bflag:$0x0] =	sbarrier.arrive $0xFFFF  }
0xa3: {  	_ =	strace $0x9000004A  }
0xa4: {  	s0 =	stileid.u32;
	[bflag:$0x2] =	sbarrier.arrive $0xFFFF  }
0xa5: {  	p0 =	sne.s32 s0, $0x0;
	s0 =	rddreg [dreg:$0x3]  }
0xa6: {  	s0 =	sadd.s32 @!p0 $0x100000, s0  }
0xa7: {  	[sflag:s0] =	ssyncadd.tile.s32 @!p0 $0x1;
	_ =	shalt  }
.Lfunc_end2:
_tile_overlayer_lowered:
.L_overlay_start_2:
0xa8: {  	(tag) =	ssettag $0x2  }
0xa9: {  	s0 =	rddreg [dreg:$0x0];
	s2 =	stileid.u32  }
0xaa: {  	s1 =	rddreg [dreg:$0x1];
	p0 =	sne.s32 s2, $0x0  }
0xab: {  	s3 =	rddreg [dreg:$0x2];
	[bflag:$0x3] =	sbarrier.arrive $0xFFFF;
	s2 =	simm.s32 @!p0 $0x1C03  }
0xac: {  	[timem:s3], [sflag:s2] =	dma.local @!p0 [hbm:s0], s1  }
0xad: {  	s0 =	simm.s32 @!p0 $0x3  }
0xae: {  	_ =	swait.ge @!p0 [sflag:s0], s1  }
0xaf: {  	s1 =	ssub.s32 @!p0 $0x0, s1;
	[sflag:s0] =	ssyncset.done @!p0 $0x0  }
0xb0: {  	[sflag:s0] =	ssyncadd.s32 @!p0 s1  }
0xb1: {  	[bflag:$0x3] =	sbarrier.arrive $0xFFFF  }
0xb2: {  	_ =	shalt  }

// kernel: kernel.14.cloned.1.call-start
scs
__scs_entry_jumppad:
0x0: {  	(pc) =	sbr.rel $0x88, $3  }
0x1: {  	(tag) =	ssettag $0x0;
	lr =	simm.s32 $0x1  }
0x2: {  	[smem:$0x3F9B] =	sst lr;
	_ =	strace $0xD0000000  }
0x3: {  	_ = 	snop  }
0x4: {  	_ = 	snop  }
0x5: {  	_ = 	snop  }
0x6: {  	_ = 	snop  }
0x7: {  	_ = 	snop  }
__scs_overlays_trampoline_lowered:
0x8: {  	[smem:$0x3FAA] =	sst s0  }
0x9: {  	[smem:$0x3FAB] =	sst s1  }
0xa: {  	[smem:$0x3FAC] =	sst s2  }
0xb: {  	[smem:$0x3FAD] =	sst s3  }
0xc: {  	[smem:$0x3FAE] =	sst s4  }
0xd: {  	[smem:$0x3FAF] =	sst s5  }
0xe: {  	[smem:$0x3FB0] =	sst s6  }
0xf: {  	[smem:$0x3FB1] =	sst s7  }
0x10: {  	[smem:$0x3FB2] =	sst s8  }
0x11: {  	[smem:$0x3FB3] =	sst s9;
	s0 =	simm.s32 @!p0 $0x0  }
0x12: {  	s1 =	sld [smem:$0x3F99];
	s0 =	simm.s32 @p0 $0x1  }
0x13: {  	[smem:$0x3FB4] =	sst s0;
	s0 =	simm.s32 @!p1 $0x0  }
0x14: {  	s2 =	sld [smem:$0x3F98];
	s0 =	simm.s32 @p1 $0x1  }
0x15: {  	[smem:$0x3FB5] =	sst s0;
	s0 =	simm.s32 @!p2 $0x0  }
0x16: {  	s3 =	sld [smem:$0x3FDB];
	s0 =	simm.s32 @p2 $0x1  }
0x17: {  	s4 =	simm.s32 $0x1BF5;
	[smem:$0x3FB7] =	sst s0  }
0x18: {  	s0 =	sld [smem:$0x3F9A];
	_ =	swait.ge [sflag:s4], $0x0  }
0x19: {  	s7 =	sld [smem:$0x3F9B]  }
0x1a: {  	s8 =	sadd.s32 $0xFFFFE003, lr  }
0x1b: {  	s9 =	sadd.s32 $0xFFFFFEF7, lr;
	s5 =	simm.s32 $0xFFFFFFFF;
	p2 =	slt.u32 s8, $0xFFFFF086  }
0x1c: {  	p1 =	slt.u32 s9, $0xF7A;
	s5 =	simm.s32 @!p2 $0x0  }
0x1d: {  	s5 =	simm.s32 @p1 $0x1;
	p0 =	seq.s32 s7, s2  }
0x1e: {  	s7 =	smul.u32 @!p0 $0xF7A, s2;
	p2 =	seq.s32 @!p0 s5, $0x0  }
0x1f: {  	s9 =	smul.u32 $0xF7A, s1;
	s8 =	simm.s32 @!p0 $0x1BF5;
	p2 =	por !p2, p0  }
0x20: {  	[sflag:s8] =	ssyncset.s32 @!p0 $0xFFFFF086;
	s6 =	sadd.s32 @!p0 s3, s7;
	s7 =	simm.s32 @!p0 $0x108  }
0x21: {  	s3 =	sadd.s32 s3, s9;
	s6 =	sadd.s32 @!p0 $0x88, s6;
	s7 =	simm.s32 @p2 $0x1082  }
0x22: {  	[simem:s7], [sflag:s8] =	dma.local @!p0 [hbm:s6], $0xF7A  }
0x23: {  	s9 =	sor.u32 $0xD0000000, s2;
	s6 =	simm.s32 $0x108;
	_ =	swait.ge @!p0 [sflag:s8], $0x0  }
0x24: {  	s3 =	sadd.s32 $0x88, s3;
	s6 =	simm.s32 @!p1 $0x1082;
	[sflag:s4] =	ssyncset.s32 $0xFFFFF086  }
0x25: {  	[simem:s6], [sflag:s4] =	dma.local [hbm:s3], $0xF7A  }
0x26: {  	[smem:$0x3F9B] =	sst s1;
	(tag) =	ssettag s2;
	_ =	strace s9  }
0x27: {  	s1 =	sld [smem:$0x3FAB]  }
0x28: {  	s2 =	sld [smem:$0x3FAC]  }
0x29: {  	s4 =	sld [smem:$0x3FAE]  }
0x2a: {  	p0 =	seq.s32 s5, $0x0;
	s5 =	sld [smem:$0x3FAF]  }
0x2b: {  	s6 =	sld [smem:$0x3FB0]  }
0x2c: {  	s7 =	sld [smem:$0x3FB1]  }
0x2d: {  	s3 =	simm.s32 $0x108;
	s8 =	sld [smem:$0x3FB2]  }
0x2e: {  	s3 =	simm.s32 @!p0 $0x1082;
	s9 =	sld [smem:$0x3FB3]  }
0x2f: {  	lr =	sadd.s32 s0, s3;
	s0 =	sld [smem:$0x3FAA]  }
0x30: {  	s3 =	sld [smem:$0x3FAD]  }
0x31: {  	[smem:$0x3FB6] =	sst s10  }
0x32: {  	s10 =	sld [smem:$0x3FB4];
	_ =	sdelay $0x3  }
0x33: {  	p0 =	seq.s32 s10, $0x1;
	s10 =	sld [smem:$0x3FB6];
	_ =	sdelay $0x3  }
0x34: {  	[smem:$0x3FB6] =	sst s10  }
0x35: {  	s10 =	sld [smem:$0x3FB5];
	_ =	sdelay $0x3  }
0x36: {  	p1 =	seq.s32 s10, $0x1;
	s10 =	sld [smem:$0x3FB6];
	_ =	sdelay $0x3  }
0x37: {  	[smem:$0x3FB6] =	sst s10  }
0x38: {  	s10 =	sld [smem:$0x3FB7]  }
0x39: {  	_ = 	snop;
	(pc) =	sbr.ind lr, $3  }
0x3a: {  	_ = 	snop  }
0x3b: {  	_ = 	snop  }
0x3c: {  	p2 =	seq.s32 s10, $0x1;
	s10 =	sld [smem:$0x3FB6]  }
0x3d: {  	_ =	shalt  }
0x3e: {  	_ =	shalt  }
0x3f: {  	_ =	shalt  }
0x40: {  	_ =	shalt  }
0x41: {  	_ =	shalt  }
0x42: {  	_ =	shalt  }
0x43: {  	_ =	shalt  }
0x44: {  	_ =	shalt  }
0x45: {  	_ =	shalt  }
0x46: {  	_ =	shalt  }
0x47: {  	_ =	shalt  }
0x48: {  	_ =	shalt  }
0x49: {  	_ =	shalt  }
0x4a: {  	_ =	shalt  }
0x4b: {  	_ =	shalt  }
0x4c: {  	_ =	shalt  }
0x4d: {  	_ =	shalt  }
0x4e: {  	_ =	shalt  }
0x4f: {  	_ =	shalt  }
0x50: {  	_ =	shalt  }
0x51: {  	_ =	shalt  }
0x52: {  	_ =	shalt  }
0x53: {  	_ =	shalt  }
0x54: {  	_ =	shalt  }
0x55: {  	_ =	shalt  }
0x56: {  	_ =	shalt  }
0x57: {  	_ =	shalt  }
0x58: {  	_ =	shalt  }
0x59: {  	_ =	shalt  }
0x5a: {  	_ =	shalt  }
0x5b: {  	_ =	shalt  }
0x5c: {  	_ =	shalt  }
0x5d: {  	_ =	shalt  }
0x5e: {  	_ =	shalt  }
0x5f: {  	_ =	shalt  }
0x60: {  	_ =	shalt  }
0x61: {  	_ =	shalt  }
0x62: {  	_ =	shalt  }
0x63: {  	_ =	shalt  }
0x64: {  	_ =	shalt  }
0x65: {  	_ =	shalt  }
0x66: {  	_ =	shalt  }
0x67: {  	_ =	shalt  }
0x68: {  	_ =	shalt  }
0x69: {  	_ =	shalt  }
0x6a: {  	_ =	shalt  }
0x6b: {  	_ =	shalt  }
0x6c: {  	_ =	shalt  }
0x6d: {  	_ =	shalt  }
0x6e: {  	_ =	shalt  }
0x6f: {  	_ =	shalt  }
0x70: {  	_ =	shalt  }
0x71: {  	_ =	shalt  }
0x72: {  	_ =	shalt  }
0x73: {  	_ =	shalt  }
0x74: {  	_ =	shalt  }
0x75: {  	_ =	shalt  }
0x76: {  	_ =	shalt  }
0x77: {  	_ =	shalt  }
0x78: {  	_ =	shalt  }
0x79: {  	_ =	shalt  }
0x7a: {  	_ =	shalt  }
0x7b: {  	_ =	shalt  }
0x7c: {  	_ =	shalt  }
0x7d: {  	_ =	shalt  }
0x7e: {  	_ =	shalt  }
0x7f: {  	_ =	shalt  }
0x80: {  	_ =	shalt  }
0x81: {  	_ =	shalt  }
0x82: {  	_ =	shalt  }
0x83: {  	_ =	shalt  }
0x84: {  	_ =	shalt  }
0x85: {  	_ =	shalt  }
0x86: {  	_ =	shalt  }
0x87: {  	_ =	shalt  }
.Lfunc_end0:
.L_simem_size_0:
called_computation.2_lowered:
.L_overlay_start_0:
0x88: {  	s2 =	sld [smem:$0x3FD9]  }
0x89: {  	s3 =	sld [smem:$0x3FFE];
	_ =	sdelay $0x1  }
0x8a: {  	s1 =	srdreg.scid  }
0x8b: {  	s0 =	sand.u32 $0x1, s1  }
0x8c: {  	s17 =	sshll.u32 s0, $0xA;
	s2 =	sadd.s32 s3, s2  }
0x8d: {  	s2 =	sadd.s32 s2, s17  }
0x8e: {  	[smem:$0x3FC2] =	sst s2  }
0x8f: {  	_ = 	snop  }
0x90: {  	s2 =	sld [smem:$0x3FD0];
	(tm) =	ssettm $0x1  }
0x91: {  	s18 =	sld [smem:$0x3FFB];
	_ =	sdelay $0x3  }
0x92: {  	_ =	strace s18  }
0x93: {  	s3 =	sld [smem:$0x3FFC];
	_ =	sdelay $0x3  }
0x94: {  	_ =	strace s3  }
0x95: {  	s3 =	sld [smem:$0x3FFD];
	_ =	sdelay $0x3  }
0x96: {  	_ =	strace s3  }
0x97: {  	_ =	strace $0x8FFFFFFF  }
0x98: {  	s19 =	sld [smem:$0x3FDB];
	_ =	sdelay $0x1  }
0x99: {  	s4 =	simm.s32 $_scs_section_size  }
0x9a: {  	s5 =	simm.s32 $_size__tile_overlayer_lowered;
	s6 =	simm.s32 $_tile_overlayer_lowered  }
0x9b: {  	s22 =	simm.s32 $0x1BFF;
	s21 =	sshll.u32 s6, $0x1;
	s3 =	sadd.s32 s4, s19  }
0x9c: {  	s7 =	simm.s32 $0x0;
	s20 =	sshll.u32 s5, $0x1;
	s5 =	sadd.s32 s21, s3  }
0x9d: {  	[timem:s7], [sflag:s22] =	dma.local [hbm:s5], s20  }
0x9e: {  	_ =	swait.ge [sflag:s22], s20  }
0x9f: {  	s4 =	ssub.s32 $0x0, s20;
	[sflag:s22] =	ssyncset.done $0x0  }
0xa0: {  	[sflag:s22] =	ssyncadd.s32 s4;
	_ =	sdelay $0x1  }
0xa1: {  	s23 =	simm.s32 $0x1B8B  }
0xa2: {  	_ =	swait.ge [sflag:s23], $0x1  }
0xa3: {  	[sflag:s23] =	ssyncset.done $0x0  }
0xa4: {  	s25 =	simm.s32 $0x1B8E;
	s24 =	sld [smem:$0x3FFE];
	[sflag:s23] =	ssyncadd.s32 $0xFFFFFFFF  }
0xa5: {  	s26 =	simm.s32 $execute0_lowered;
	[smem:$0x3FD2] =	sst s25  }
0xa6: {  	s5 =	sshll.u32 s26, $0x1;
	_ =	strace $0x8000004C;
	[dreg:$0x1] =	wrdreg $0xFFFFFFFF  }
0xa7: {  	s28 =	simm.s32 $_size_execute0_lowered;
	s3 =	sadd.s32 s3, s5;
	[dreg:$0x0] =	wrdreg $0x0  }
0xa8: {  	s5 =	sshll.u32 s28, $0x1;
	[dreg:$0x2] =	wrdreg s3  }
0xa9: {  	[dreg:$0x3] =	wrdreg s5  }
0xaa: {  	[dreg:$0x4] =	wrdreg $0xC0  }
0xab: {  	_ =	task [dreg:s7], $0x5FFFF  }
0xac: {  	[dreg:$0x1] =	wrdreg $0xFFFFFFFF  }
0xad: {  	[dreg:$0x0] =	wrdreg $0x60  }
0xae: {  	[dreg:$0x2] =	wrdreg s24  }
0xaf: {  	[dreg:$0x3] =	wrdreg s2  }
0xb0: {  	[dreg:$0x4] =	wrdreg $0xE0000  }
0xb1: {  	[dreg:$0x5] =	wrdreg $0x9  }
0xb2: {  	_ =	task.clear_ibuf [dreg:s7], $0x6FFFF;
	_ =	strace $0x9000004C  }
0xb3: {  	s29 =	simm.s32 $0x9;
	_ =	strace $0x8000004E  }
0xb4: {  	_ =	swait.ge [sflag:s29], $0x1  }
0xb5: {  	[sflag:s29] =	ssyncadd.s32 $0xFFFFFFFF  }
0xb6: {  	_ =	strace $0x9000004E  }
0xb7: {  	_ =	sfence  }
0xb8: {  	s30 =	sld [smem:$0x0];
	_ =	sdelay $0x2  }
0xb9: {  	s31 =	sshll.u32 s1, $0xD;
	s1 =	sshrl.u32 s1, $0x2  }
0xba: {  	s3 =	sand.u32 $0x4000, s31;
	s1 =	sadd.s32 s1, s30  }
0xbb: {  	s0 =	sor.u32 s3, s0;
	s1 =	sshll.u32 s1, $0x11  }
0xbc: {  	s0 =	sor.u32 s1, s0  }
0xbd: {  	s0 =	sadd.s32 $0x8F2B, s0  }
0xbe: {  	[sflag:s0] =	ssyncadd.remote.s32 $0x1  }
0xbf: {  	_ =	sfence.sel $0xFFFF  }
0xc0: {  	[dreg:$0x0] =	wrdreg $0xFFFFFFFF;
	(pc) =	sbr.abs _section_cstart, $3  }
0xc1: {  	[dreg:$0x1] =	wrdreg $0xFFFFFFFF  }
0xc2: {  	_ =	task.clear_ibuf [dreg:s7], $0x2FFFF;
	_ =	strace $0x9FFFFFFF  }
0xc3: {  	(tm) =	ssettm $0x7FFFFFFF  }
tec
execute0_lowered:
.L_overlay_start_1:
0x0: {  	(tag) =	ssettag $0x1  }
0x1: {  	s0 =	rddreg [dreg:$0x0]  }
0x2: {  	s12 =	rddreg [dreg:$0x1]  }
0x3: {  	s2 =	rddreg [dreg:$0x2];
	s3 =	simm.s32 $0x0;
	s1 =	stileid.u32  }
0x4: {  	s5 =	srdreg.scid;
	s22 =	simm.s32 $0x80;
	s28 =	simm.s32 $0x9F00  }
0x5: {  	s29 =	simm.s32 $0x9F80;
	s30 =	simm.s32 $0x0;
	s4 =	smul.u32 $0xA00, s1  }
0x6: {  	[smem:$0x7FF] =	sst s3;
	s11 =	sand.u32 $0x1, s5;
	s14 =	smul.u32 $0xA000, s1  }
0x7: {  	_ =	strace $0x8000004D;
	s5 =	ssub.s32 $0x2, s11;
	s20 =	smul.u32 $0xA0000, s11  }
0x8: {  	s21 =	smul.u32 $0x13880, s11;
	s13 =	sadd.s32 s4, s0;
	s4 =	sadd.s32 $0x15800, s0  }
0x9: {  	s0 =	sadd.s32 $0x20000, s0;
	s6 =	sshrl.u32 s5, $0x1;
	s15 =	sadd.s32 $0x2000, s14  }
0xa: {  	s16 =	sadd.s32 $0x4000, s14;
	s17 =	sadd.s32 $0x6000, s14;
	s19 =	sadd.s32 $0x8000, s14  }
0xb: {  	s18 =	ssub.s32 s5, s6;
	s5 =	sadd.s32 s14, s2;
	s6 =	sadd.s32 s15, s2  }
0xc: {  	s7 =	sadd.s32 s16, s2;
	s8 =	sadd.s32 s17, s2;
	s9 =	sadd.s32 s19, s2  }
0xd: {  	s10 =	sadd.s32 $0x1800, s13;
	s14 =	sadd.s32 s14, s20;
	s15 =	sadd.s32 s20, s15  }
0xe: {  	s11 =	sadd.s32 $0xB800, s13;
	s12 =	sadd.s32 s12, s21;
	s25 =	sadd.s32 s20, s16  }
0xf: {  	s26 =	sadd.s32 s20, s17;
	s31 =	sadd.s32 s20, s19;
	s19 =	simm.s32 $0xA000  }
0x10: {  	s20 =	simm.s32 $0x3;
	s23 =	sshrl.u32 s14, $0x3;
	s24 =	sshrl.u32 s15, $0x3  }
0x11: {  	s15 =	sshrl.u32 s25, $0x3;
	s16 =	sshrl.u32 s26, $0x3;
	s17 =	sshrl.u32 s31, $0x3  }
0x12: {  	s18 =	smax.u32 s18, $0x1;
	s25 =	simm.s32 $0x2;
	s13 =	sadd.s32 s0, s23  }
0x13: {  	s14 =	sadd.s32 s0, s24;
	s15 =	sadd.s32 s0, s15;
	s16 =	sadd.s32 s0, s16  }
0x14: {  	s17 =	sadd.s32 s0, s17;
	s23 =	simm.s32 $0xC000;
	s24 =	simm.s32 $0x1  }
.LBB2_1:
0x15: {  	[tilespmem:s19], [sflag:$0x3] =	stream.linear.gather [hbm4b:s4+s3], $0x2000, $0x38;
	[tilespmem:$0x18000] =	vst v63  }
0x16: {  	_ =	swait.ge [sflag:s20], $0x2000  }
0x17: {  	[sflag:s20] =	ssyncset.done $0x0  }
0x18: {  	[sflag:s20] =	ssyncadd.s32 $0xFFFFE000  }
0x19: {  	[spmem:s5] =	stream.linear.scatter [tilespmem:s19], [sflag:$0x3], $0x2000, $0x38;
	[tilespmem:$0x18000] =	vst v63  }
0x1a: {  	_ =	swait.ge [sflag:s20], $0x2000  }
0x1b: {  	[sflag:s20] =	ssyncset.done $0x0  }
0x1c: {  	[sflag:s20] =	ssyncadd.s32 $0xFFFFE000  }
0x1d: {  	[spmem:s6] =	stream.linear.scatter [tilespmem:s19], [sflag:$0x3], $0x2000, $0x38;
	[tilespmem:$0x18000] =	vst v63  }
0x1e: {  	_ =	swait.ge [sflag:s20], $0x2000  }
0x1f: {  	[sflag:s20] =	ssyncset.done $0x0  }
0x20: {  	[sflag:s20] =	ssyncadd.s32 $0xFFFFE000  }
0x21: {  	[spmem:s7] =	stream.linear.scatter [tilespmem:s19], [sflag:$0x3], $0x2000, $0x38;
	[tilespmem:$0x18000] =	vst v63  }
0x22: {  	_ =	swait.ge [sflag:s20], $0x2000  }
0x23: {  	[sflag:s20] =	ssyncset.done $0x0  }
0x24: {  	[sflag:s20] =	ssyncadd.s32 $0xFFFFE000  }
0x25: {  	[spmem:s8] =	stream.linear.scatter [tilespmem:s19], [sflag:$0x3], $0x2000, $0x38;
	[tilespmem:$0x18000] =	vst v63  }
0x26: {  	_ =	swait.ge [sflag:s20], $0x2000  }
0x27: {  	[sflag:s20] =	ssyncset.done $0x0  }
0x28: {  	[sflag:s20] =	ssyncadd.s32 $0xFFFFE000  }
0x29: {  	[spmem:s9] =	stream.linear.scatter [tilespmem:s19], [sflag:$0x3], $0x2000, $0x38;
	[tilespmem:$0x18000] =	vst v63  }
0x2a: {  	_ =	swait.ge [sflag:s20], $0x2000  }
0x2b: {  	[sflag:s20] =	ssyncset.done $0x0  }
0x2c: {  	[sflag:s20] =	ssyncadd.s32 $0xFFFFE000  }
0x2d: {  	[tilespmem:s3], [sflag:$0x3] =	stream.linear.gather [hbm4b:s10+s3], $0x5000, $0x38;
	[tilespmem:$0x18000] =	vst v63  }
0x2e: {  	_ =	swait.ge [sflag:s20], $0x5000  }
0x2f: {  	[sflag:s20] =	ssyncset.done $0x0  }
0x30: {  	s0 =	simm.s32 $0x5000;
	[sflag:s20] =	ssyncadd.s32 $0xFFFFB000  }
0x31: {  	[tilespmem:s0], [sflag:$0x3] =	stream.linear.gather [hbm4b:s11+s3], $0x5000, $0x38;
	[tilespmem:$0x18000] =	vst v63  }
0x32: {  	_ =	swait.ge [sflag:s20], $0x5000  }
0x33: {  	[sflag:s20] =	ssyncset.done $0x0  }
0x34: {  	[sflag:s20] =	ssyncadd.s32 $0xFFFFB000  }
0x35: {  	[bflag:$0x0] =	sbarrier.arrive $0xFFFF  }
0x36: {  	[tilespmem:s19], [sflag:$0x1] =	stream.indirect.gather [hbm4b:s12+s22], $0x40, s3, s22, $0xb8;
	[tilespmem:$0x18000] =	vst v63  }
0x37: {  	s26 =	simm.s32 $0x80  }
0x38: {  	[tilespmem:s23], [sflag:$0x2] =	stream.indirect.gather [hbm4b:s12+s22], $0x40, s26, s22, $0xb8;
	[tilespmem:$0x18000] =	vst v63  }
0x39: {  	_ =	swait.ge [sflag:s24], $0x2000  }
0x3a: {  	[sflag:s24] =	ssyncset.done $0x0  }
0x3b: {  	s1 =	simm.s32 $0x5000;
	[sflag:s24] =	ssyncadd.s32 $0xFFFFE000  }
0x3c: {  	[spmem:s2] =	stream.indirect.scatter.add.f32 [tilespmem:s19], [sflag:$0x3], $0x40, s1, s22, $0xb8;
	[tilespmem:$0x18000] =	vst v63  }
0x3d: {  	_ =	swait.ge [sflag:s20], $0x2000  }
0x3e: {  	[sflag:s20] =	ssyncset.done $0x0  }
0x3f: {  	s21 =	simm.s32 $0x100;
	[sflag:s20] =	ssyncadd.s32 $0xFFFFE000  }
0x40: {  	[tilespmem:s19], [sflag:$0x1] =	stream.indirect.gather [hbm4b:s12+s22], $0x40, s21, s22, $0xb8;
	[tilespmem:$0x18000] =	vst v63  }
0x41: {  	_ =	swait.ge [sflag:s25], $0x2000  }
0x42: {  	[sflag:s25] =	ssyncset.done $0x0  }
0x43: {  	s26 =	simm.s32 $0x5080;
	[sflag:s25] =	ssyncadd.s32 $0xFFFFE000  }
0x44: {  	[spmem:s2] =	stream.indirect.scatter.add.f32 [tilespmem:s23], [sflag:$0x3], $0x40, s26, s22, $0xb8;
	[tilespmem:$0x18000] =	vst v63  }
0x45: {  	_ =	swait.ge [sflag:s20], $0x2000  }
0x46: {  	s31 =	simm.s32 $0x100;
	s0 =	simm.s32 $0x800;
	[sflag:s20] =	ssyncset.done $0x0  }
.LBB2_2:
0x47: {  	s1 =	sadd.s32 $0x80, s31  }
0x48: {  	[sflag:s20] =	ssyncadd.s32 $0xFFFFE000;
	s21 =	smov.u32 s0;
	s26 =	sadd.s32 $0x400, s0  }
0x49: {  	[tilespmem:s23], [sflag:$0x2] =	stream.indirect.gather [hbm4b:s12+s22], $0x40, s1, s22, $0xb8;
	[tilespmem:$0x18000] =	vst v63  }
0x4a: {  	p0 =	sne.s32 s0, $0x13800;
	_ =	swait.ge [sflag:s24], $0x2000  }
0x4b: {  	[sflag:s24] =	ssyncset.done $0x0  }
0x4c: {  	s0 =	sadd.s32 $0x5000, s31;
	[sflag:s24] =	ssyncadd.s32 $0xFFFFE000  }
0x4d: {  	[spmem:s2] =	stream.indirect.scatter.add.f32 [tilespmem:s19], [sflag:$0x3], $0x40, s0, s22, $0xb8;
	[tilespmem:$0x18000] =	vst v63  }
0x4e: {  	_ =	swait.ge [sflag:s20], $0x2000  }
0x4f: {  	[sflag:s20] =	ssyncset.done $0x0  }
0x50: {  	s0 =	sadd.s32 $0x100, s31;
	[sflag:s20] =	ssyncadd.s32 $0xFFFFE000  }
0x51: {  	[tilespmem:s19], [sflag:$0x1] =	stream.indirect.gather [hbm4b:s12+s22], $0x40, s0, s22, $0xb8;
	[tilespmem:$0x18000] =	vst v63  }
0x52: {  	_ =	swait.ge [sflag:s25], $0x2000  }
.Ltmp0:
0x53: {  	[sflag:s25] =	ssyncset.done $0x0;
	(pc) =	sbr.rel @p0 .LBB2_2-.Ltmp0, $4  }
0x54: {  	s0 =	sadd.s32 $0x5080, s31;
	[sflag:s25] =	ssyncadd.s32 $0xFFFFE000  }
0x55: {  	[spmem:s2] =	stream.indirect.scatter.add.f32 [tilespmem:s23], [sflag:$0x3], $0x40, s0, s22, $0xb8;
	[tilespmem:$0x18000] =	vst v63  }
0x56: {  	_ =	swait.ge [sflag:s20], $0x2000  }
0x57: {  	s31 =	sshra.s32 s21, $0x2;
	s0 =	smov.u32 s26;
	[sflag:s20] =	ssyncset.done $0x0  }
0x58: {  	s0 =	sadd.s32 $0x80, s31;
	[sflag:s20] =	ssyncadd.s32 $0xFFFFE000  }
0x59: {  	[tilespmem:s23], [sflag:$0x2] =	stream.indirect.gather [hbm4b:s12+s22], $0x40, s0, s22, $0xb8;
	[tilespmem:$0x18000] =	vst v63  }
0x5a: {  	_ =	swait.ge [sflag:s24], $0x2000  }
0x5b: {  	[sflag:s24] =	ssyncset.done $0x0  }
0x5c: {  	s1 =	sadd.s32 $0x5000, s31;
	[sflag:s24] =	ssyncadd.s32 $0xFFFFE000  }
0x5d: {  	[spmem:s2] =	stream.indirect.scatter.add.f32 [tilespmem:s19], [sflag:$0x3], $0x40, s1, s22, $0xb8;
	[tilespmem:$0x18000] =	vst v63  }
0x5e: {  	_ =	swait.ge [sflag:s20], $0x2000  }
0x5f: {  	[sflag:s20] =	ssyncset.done $0x0  }
0x60: {  	s21 =	sadd.s32 $0x100, s31;
	[sflag:s20] =	ssyncadd.s32 $0xFFFFE000  }
0x61: {  	[tilespmem:s19], [sflag:$0x1] =	stream.indirect.gather [hbm4b:s12+s22], $0x40, s21, s22, $0xb8;
	[tilespmem:$0x18000] =	vst v63  }
0x62: {  	_ =	swait.ge [sflag:s25], $0x2000  }
0x63: {  	[sflag:s25] =	ssyncset.done $0x0  }
0x64: {  	s26 =	sadd.s32 $0x5080, s31;
	[sflag:s25] =	ssyncadd.s32 $0xFFFFE000  }
0x65: {  	[spmem:s2] =	stream.indirect.scatter.add.f32 [tilespmem:s23], [sflag:$0x3], $0x40, s26, s22, $0xb8;
	[tilespmem:$0x18000] =	vst v63  }
0x66: {  	_ =	swait.ge [sflag:s20], $0x2000  }
0x67: {  	[sflag:s20] =	ssyncset.done $0x0  }
0x68: {  	s31 =	simm.s32 $0x4F80;
	[sflag:s20] =	ssyncadd.s32 $0xFFFFE000  }
0x69: {  	[tilespmem:s23], [sflag:$0x2] =	stream.indirect.gather [hbm4b:s12+s22], $0x40, s31, s22, $0xb8;
	[tilespmem:$0x18000] =	vst v63  }
0x6a: {  	_ =	swait.ge [sflag:s24], $0x2000  }
0x6b: {  	[sflag:s24] =	ssyncset.done $0x0  }
0x6c: {  	[sflag:s24] =	ssyncadd.s32 $0xFFFFE000  }
0x6d: {  	[spmem:s2] =	stream.indirect.scatter.add.f32 [tilespmem:s19], [sflag:$0x3], $0x40, s28, s22, $0xb8;
	[tilespmem:$0x18000] =	vst v63  }
0x6e: {  	_ =	swait.ge [sflag:s20], $0x2000  }
0x6f: {  	[sflag:s20] =	ssyncset.done $0x0  }
0x70: {  	[sflag:s20] =	ssyncadd.s32 $0xFFFFE000  }
0x71: {  	_ =	swait.ge [sflag:s25], $0x2000  }
0x72: {  	[sflag:s25] =	ssyncset.done $0x0  }
0x73: {  	[sflag:s25] =	ssyncadd.s32 $0xFFFFE000  }
0x74: {  	[spmem:s2] =	stream.indirect.scatter.add.f32 [tilespmem:s23], [sflag:$0x3], $0x40, s29, s22, $0xb8;
	[tilespmem:$0x18000] =	vst v63  }
0x75: {  	_ =	swait.ge [sflag:s20], $0x2000  }
0x76: {  	[sflag:s20] =	ssyncset.done $0x0  }
0x77: {  	[sflag:s20] =	ssyncadd.s32 $0xFFFFE000  }
0x78: {  	[bflag:$0x0] =	sbarrier.arrive $0xFFFF  }
0x79: {  	[tilespmem:s19], [sflag:$0x3] =	stream.linear.gather [spmem:s5], $0x2000, $0x38;
	[tilespmem:$0x18000] =	vst v63  }
0x7a: {  	_ =	swait.ge [sflag:s20], $0x2000  }
0x7b: {  	[sflag:s20] =	ssyncset.done $0x0  }
0x7c: {  	[sflag:s20] =	ssyncadd.s32 $0xFFFFE000  }
0x7d: {  	[hbm4b:s13+s3] =	stream.linear.scatter [tilespmem:s19], [sflag:$0x3], $0x2000, $0x38;
	[tilespmem:$0x18000] =	vst v63  }
0x7e: {  	_ =	swait.ge [sflag:s20], $0x2000  }
0x7f: {  	[sflag:s20] =	ssyncset.done $0x0  }
0x80: {  	[sflag:s20] =	ssyncadd.s32 $0xFFFFE000  }
0x81: {  	[tilespmem:s19], [sflag:$0x3] =	stream.linear.gather [spmem:s6], $0x2000, $0x38;
	[tilespmem:$0x18000] =	vst v63  }
0x82: {  	_ =	swait.ge [sflag:s20], $0x2000  }
0x83: {  	[sflag:s20] =	ssyncset.done $0x0  }
0x84: {  	[sflag:s20] =	ssyncadd.s32 $0xFFFFE000  }
0x85: {  	[hbm4b:s14+s3] =	stream.linear.scatter [tilespmem:s19], [sflag:$0x3], $0x2000, $0x38;
	[tilespmem:$0x18000] =	vst v63  }
0x86: {  	_ =	swait.ge [sflag:s20], $0x2000  }
0x87: {  	[sflag:s20] =	ssyncset.done $0x0  }
0x88: {  	[sflag:s20] =	ssyncadd.s32 $0xFFFFE000  }
0x89: {  	[tilespmem:s19], [sflag:$0x3] =	stream.linear.gather [spmem:s7], $0x2000, $0x38;
	[tilespmem:$0x18000] =	vst v63  }
0x8a: {  	_ =	swait.ge [sflag:s20], $0x2000  }
0x8b: {  	[sflag:s20] =	ssyncset.done $0x0  }
0x8c: {  	[sflag:s20] =	ssyncadd.s32 $0xFFFFE000  }
0x8d: {  	[hbm4b:s15+s3] =	stream.linear.scatter [tilespmem:s19], [sflag:$0x3], $0x2000, $0x38;
	[tilespmem:$0x18000] =	vst v63  }
0x8e: {  	_ =	swait.ge [sflag:s20], $0x2000  }
0x8f: {  	[sflag:s20] =	ssyncset.done $0x0  }
0x90: {  	[sflag:s20] =	ssyncadd.s32 $0xFFFFE000  }
0x91: {  	[tilespmem:s19], [sflag:$0x3] =	stream.linear.gather [spmem:s8], $0x2000, $0x38;
	[tilespmem:$0x18000] =	vst v63  }
0x92: {  	_ =	swait.ge [sflag:s20], $0x2000  }
0x93: {  	[sflag:s20] =	ssyncset.done $0x0  }
0x94: {  	[sflag:s20] =	ssyncadd.s32 $0xFFFFE000  }
0x95: {  	[hbm4b:s16+s3] =	stream.linear.scatter [tilespmem:s19], [sflag:$0x3], $0x2000, $0x38;
	[tilespmem:$0x18000] =	vst v63  }
0x96: {  	_ =	swait.ge [sflag:s20], $0x2000  }
0x97: {  	[sflag:s20] =	ssyncset.done $0x0  }
0x98: {  	[sflag:s20] =	ssyncadd.s32 $0xFFFFE000  }
0x99: {  	[tilespmem:s19], [sflag:$0x3] =	stream.linear.gather [spmem:s9], $0x2000, $0x38;
	[tilespmem:$0x18000] =	vst v63  }
0x9a: {  	s30 =	sadd.s32 $0x1, s30;
	_ =	swait.ge [sflag:s20], $0x2000  }
0x9b: {  	p0 =	sne.s32 s30, s18;
	[sflag:s20] =	ssyncset.done $0x0  }
.Ltmp1:
0x9c: {  	[sflag:s20] =	ssyncadd.s32 $0xFFFFE000;
	(pc) =	sbr.rel @p0 .LBB2_1-.Ltmp1, $4  }
0x9d: {  	[hbm4b:s17+s3] =	stream.linear.scatter [tilespmem:s19], [sflag:$0x3], $0x2000, $0x38;
	[tilespmem:$0x18000] =	vst v63  }
0x9e: {  	_ =	swait.ge [sflag:s20], $0x2000  }
0x9f: {  	[sflag:s20] =	ssyncset.done $0x0  }
0xa0: {  	[sflag:s20] =	ssyncadd.s32 $0xFFFFE000  }
0xa1: {  	_ =	sfence.sel $0x180000  }
0xa2: {  	[bflag:$0x0] =	sbarrier.arrive $0xFFFF  }
0xa3: {  	_ =	strace $0x9000004D  }
0xa4: {  	s0 =	stileid.u32;
	[bflag:$0x2] =	sbarrier.arrive $0xFFFF  }
0xa5: {  	p0 =	sne.s32 s0, $0x0;
	s0 =	rddreg [dreg:$0x3]  }
0xa6: {  	s0 =	sadd.s32 @!p0 $0x100000, s0  }
0xa7: {  	[sflag:s0] =	ssyncadd.tile.s32 @!p0 $0x1;
	_ =	shalt  }
.Lfunc_end2:
_tile_overlayer_lowered:
.L_overlay_start_2:
0xa8: {  	(tag) =	ssettag $0x2  }
0xa9: {  	s0 =	rddreg [dreg:$0x0];
	s2 =	stileid.u32  }
0xaa: {  	s1 =	rddreg [dreg:$0x1];
	p0 =	sne.s32 s2, $0x0  }
0xab: {  	s3 =	rddreg [dreg:$0x2];
	[bflag:$0x3] =	sbarrier.arrive $0xFFFF;
	s2 =	simm.s32 @!p0 $0x1C03  }
0xac: {  	[timem:s3], [sflag:s2] =	dma.local @!p0 [hbm:s0], s1  }
0xad: {  	s0 =	simm.s32 @!p0 $0x3  }
0xae: {  	_ =	swait.ge @!p0 [sflag:s0], s1  }
0xaf: {  	s1 =	ssub.s32 @!p0 $0x0, s1;
	[sflag:s0] =	ssyncset.done @!p0 $0x0  }
0xb0: {  	[sflag:s0] =	ssyncadd.s32 @!p0 s1  }
0xb1: {  	[bflag:$0x3] =	sbarrier.arrive $0xFFFF  }
0xb2: {  	_ =	shalt  }

// kernel: kernel.8.cloned.1.call-start
scs
__scs_entry_jumppad:
0x0: {  	(pc) =	sbr.rel $0x88, $3  }
0x1: {  	(tag) =	ssettag $0x0;
	lr =	simm.s32 $0x1  }
0x2: {  	[smem:$0x3F9B] =	sst lr;
	_ =	strace $0xD0000000  }
0x3: {  	_ = 	snop  }
0x4: {  	_ = 	snop  }
0x5: {  	_ = 	snop  }
0x6: {  	_ = 	snop  }
0x7: {  	_ = 	snop  }
__scs_overlays_trampoline_lowered:
0x8: {  	[smem:$0x3FAA] =	sst s0  }
0x9: {  	[smem:$0x3FAB] =	sst s1  }
0xa: {  	[smem:$0x3FAC] =	sst s2  }
0xb: {  	[smem:$0x3FAD] =	sst s3  }
0xc: {  	[smem:$0x3FAE] =	sst s4  }
0xd: {  	[smem:$0x3FAF] =	sst s5  }
0xe: {  	[smem:$0x3FB0] =	sst s6  }
0xf: {  	[smem:$0x3FB1] =	sst s7  }
0x10: {  	[smem:$0x3FB2] =	sst s8  }
0x11: {  	[smem:$0x3FB3] =	sst s9;
	s0 =	simm.s32 @!p0 $0x0  }
0x12: {  	s1 =	sld [smem:$0x3F99];
	s0 =	simm.s32 @p0 $0x1  }
0x13: {  	[smem:$0x3FB4] =	sst s0;
	s0 =	simm.s32 @!p1 $0x0  }
0x14: {  	s2 =	sld [smem:$0x3F98];
	s0 =	simm.s32 @p1 $0x1  }
0x15: {  	[smem:$0x3FB5] =	sst s0;
	s0 =	simm.s32 @!p2 $0x0  }
0x16: {  	s3 =	sld [smem:$0x3FDB];
	s0 =	simm.s32 @p2 $0x1  }
0x17: {  	s4 =	simm.s32 $0x1BF5;
	[smem:$0x3FB7] =	sst s0  }
0x18: {  	s0 =	sld [smem:$0x3F9A];
	_ =	swait.ge [sflag:s4], $0x0  }
0x19: {  	s7 =	sld [smem:$0x3F9B]  }
0x1a: {  	s8 =	sadd.s32 $0xFFFFE003, lr  }
0x1b: {  	s9 =	sadd.s32 $0xFFFFFEF7, lr;
	s5 =	simm.s32 $0xFFFFFFFF;
	p2 =	slt.u32 s8, $0xFFFFF086  }
0x1c: {  	p1 =	slt.u32 s9, $0xF7A;
	s5 =	simm.s32 @!p2 $0x0  }
0x1d: {  	s5 =	simm.s32 @p1 $0x1;
	p0 =	seq.s32 s7, s2  }
0x1e: {  	s7 =	smul.u32 @!p0 $0xF7A, s2;
	p2 =	seq.s32 @!p0 s5, $0x0  }
0x1f: {  	s9 =	smul.u32 $0xF7A, s1;
	s8 =	simm.s32 @!p0 $0x1BF5;
	p2 =	por !p2, p0  }
0x20: {  	[sflag:s8] =	ssyncset.s32 @!p0 $0xFFFFF086;
	s6 =	sadd.s32 @!p0 s3, s7;
	s7 =	simm.s32 @!p0 $0x108  }
0x21: {  	s3 =	sadd.s32 s3, s9;
	s6 =	sadd.s32 @!p0 $0x88, s6;
	s7 =	simm.s32 @p2 $0x1082  }
0x22: {  	[simem:s7], [sflag:s8] =	dma.local @!p0 [hbm:s6], $0xF7A  }
0x23: {  	s9 =	sor.u32 $0xD0000000, s2;
	s6 =	simm.s32 $0x108;
	_ =	swait.ge @!p0 [sflag:s8], $0x0  }
0x24: {  	s3 =	sadd.s32 $0x88, s3;
	s6 =	simm.s32 @!p1 $0x1082;
	[sflag:s4] =	ssyncset.s32 $0xFFFFF086  }
0x25: {  	[simem:s6], [sflag:s4] =	dma.local [hbm:s3], $0xF7A  }
0x26: {  	[smem:$0x3F9B] =	sst s1;
	(tag) =	ssettag s2;
	_ =	strace s9  }
0x27: {  	s1 =	sld [smem:$0x3FAB]  }
0x28: {  	s2 =	sld [smem:$0x3FAC]  }
0x29: {  	s4 =	sld [smem:$0x3FAE]  }
0x2a: {  	p0 =	seq.s32 s5, $0x0;
	s5 =	sld [smem:$0x3FAF]  }
0x2b: {  	s6 =	sld [smem:$0x3FB0]  }
0x2c: {  	s7 =	sld [smem:$0x3FB1]  }
0x2d: {  	s3 =	simm.s32 $0x108;
	s8 =	sld [smem:$0x3FB2]  }
0x2e: {  	s3 =	simm.s32 @!p0 $0x1082;
	s9 =	sld [smem:$0x3FB3]  }
0x2f: {  	lr =	sadd.s32 s0, s3;
	s0 =	sld [smem:$0x3FAA]  }
0x30: {  	s3 =	sld [smem:$0x3FAD]  }
0x31: {  	[smem:$0x3FB6] =	sst s10  }
0x32: {  	s10 =	sld [smem:$0x3FB4];
	_ =	sdelay $0x3  }
0x33: {  	p0 =	seq.s32 s10, $0x1;
	s10 =	sld [smem:$0x3FB6];
	_ =	sdelay $0x3  }
0x34: {  	[smem:$0x3FB6] =	sst s10  }
0x35: {  	s10 =	sld [smem:$0x3FB5];
	_ =	sdelay $0x3  }
0x36: {  	p1 =	seq.s32 s10, $0x1;
	s10 =	sld [smem:$0x3FB6];
	_ =	sdelay $0x3  }
0x37: {  	[smem:$0x3FB6] =	sst s10  }
0x38: {  	s10 =	sld [smem:$0x3FB7]  }
0x39: {  	_ = 	snop;
	(pc) =	sbr.ind lr, $3  }
0x3a: {  	_ = 	snop  }
0x3b: {  	_ = 	snop  }
0x3c: {  	p2 =	seq.s32 s10, $0x1;
	s10 =	sld [smem:$0x3FB6]  }
0x3d: {  	_ =	shalt  }
0x3e: {  	_ =	shalt  }
0x3f: {  	_ =	shalt  }
0x40: {  	_ =	shalt  }
0x41: {  	_ =	shalt  }
0x42: {  	_ =	shalt  }
0x43: {  	_ =	shalt  }
0x44: {  	_ =	shalt  }
0x45: {  	_ =	shalt  }
0x46: {  	_ =	shalt  }
0x47: {  	_ =	shalt  }
0x48: {  	_ =	shalt  }
0x49: {  	_ =	shalt  }
0x4a: {  	_ =	shalt  }
0x4b: {  	_ =	shalt  }
0x4c: {  	_ =	shalt  }
0x4d: {  	_ =	shalt  }
0x4e: {  	_ =	shalt  }
0x4f: {  	_ =	shalt  }
0x50: {  	_ =	shalt  }
0x51: {  	_ =	shalt  }
0x52: {  	_ =	shalt  }
0x53: {  	_ =	shalt  }
0x54: {  	_ =	shalt  }
0x55: {  	_ =	shalt  }
0x56: {  	_ =	shalt  }
0x57: {  	_ =	shalt  }
0x58: {  	_ =	shalt  }
0x59: {  	_ =	shalt  }
0x5a: {  	_ =	shalt  }
0x5b: {  	_ =	shalt  }
0x5c: {  	_ =	shalt  }
0x5d: {  	_ =	shalt  }
0x5e: {  	_ =	shalt  }
0x5f: {  	_ =	shalt  }
0x60: {  	_ =	shalt  }
0x61: {  	_ =	shalt  }
0x62: {  	_ =	shalt  }
0x63: {  	_ =	shalt  }
0x64: {  	_ =	shalt  }
0x65: {  	_ =	shalt  }
0x66: {  	_ =	shalt  }
0x67: {  	_ =	shalt  }
0x68: {  	_ =	shalt  }
0x69: {  	_ =	shalt  }
0x6a: {  	_ =	shalt  }
0x6b: {  	_ =	shalt  }
0x6c: {  	_ =	shalt  }
0x6d: {  	_ =	shalt  }
0x6e: {  	_ =	shalt  }
0x6f: {  	_ =	shalt  }
0x70: {  	_ =	shalt  }
0x71: {  	_ =	shalt  }
0x72: {  	_ =	shalt  }
0x73: {  	_ =	shalt  }
0x74: {  	_ =	shalt  }
0x75: {  	_ =	shalt  }
0x76: {  	_ =	shalt  }
0x77: {  	_ =	shalt  }
0x78: {  	_ =	shalt  }
0x79: {  	_ =	shalt  }
0x7a: {  	_ =	shalt  }
0x7b: {  	_ =	shalt  }
0x7c: {  	_ =	shalt  }
0x7d: {  	_ =	shalt  }
0x7e: {  	_ =	shalt  }
0x7f: {  	_ =	shalt  }
0x80: {  	_ =	shalt  }
0x81: {  	_ =	shalt  }
0x82: {  	_ =	shalt  }
0x83: {  	_ =	shalt  }
0x84: {  	_ =	shalt  }
0x85: {  	_ =	shalt  }
0x86: {  	_ =	shalt  }
0x87: {  	_ =	shalt  }
.Lfunc_end0:
.L_simem_size_0:
called_computation_lowered:
.L_overlay_start_0:
0x88: {  	s2 =	sld [smem:$0x3FD9]  }
0x89: {  	s3 =	sld [smem:$0x3FFE];
	_ =	sdelay $0x1  }
0x8a: {  	s1 =	srdreg.scid  }
0x8b: {  	s0 =	sand.u32 $0x1, s1  }
0x8c: {  	s16 =	sshll.u32 s0, $0xA;
	s2 =	sadd.s32 s3, s2  }
0x8d: {  	s2 =	sadd.s32 s2, s16  }
0x8e: {  	[smem:$0x3FC2] =	sst s2  }
0x8f: {  	_ = 	snop  }
0x90: {  	(tm) =	ssettm $0x1  }
0x91: {  	s17 =	sld [smem:$0x3FFB];
	_ =	sdelay $0x3  }
0x92: {  	_ =	strace s17  }
0x93: {  	s2 =	sld [smem:$0x3FFC];
	_ =	sdelay $0x3  }
0x94: {  	_ =	strace s2  }
0x95: {  	s2 =	sld [smem:$0x3FFD];
	_ =	sdelay $0x3  }
0x96: {  	_ =	strace s2  }
0x97: {  	_ =	strace $0x8FFFFFFF  }
0x98: {  	s18 =	sld [smem:$0x3FDB];
	_ =	sdelay $0x1  }
0x99: {  	s19 =	simm.s32 $_scs_section_size  }
0x9a: {  	s4 =	simm.s32 $_size__tile_overlayer_lowered;
	s5 =	simm.s32 $_tile_overlayer_lowered  }
0x9b: {  	s22 =	simm.s32 $0x1BFF;
	s21 =	sshll.u32 s5, $0x1;
	s2 =	sadd.s32 s19, s18  }
0x9c: {  	s6 =	simm.s32 $0x0;
	s20 =	sshll.u32 s4, $0x1;
	s4 =	sadd.s32 s21, s2  }
0x9d: {  	[timem:s6], [sflag:s22] =	dma.local [hbm:s4], s20  }
0x9e: {  	_ =	swait.ge [sflag:s22], s20  }
0x9f: {  	s3 =	ssub.s32 $0x0, s20;
	[sflag:s22] =	ssyncset.done $0x0  }
0xa0: {  	[sflag:s22] =	ssyncadd.s32 s3;
	_ =	sdelay $0x1  }
0xa1: {  	s23 =	simm.s32 $0x1B8B  }
0xa2: {  	_ =	swait.ge [sflag:s23], $0x1  }
0xa3: {  	[sflag:s23] =	ssyncset.done $0x0  }
0xa4: {  	s25 =	simm.s32 $0x1B8E;
	s24 =	sld [smem:$0x3FFE];
	[sflag:s23] =	ssyncadd.s32 $0xFFFFFFFF  }
0xa5: {  	s26 =	simm.s32 $execute0_lowered;
	[smem:$0x3FD2] =	sst s25  }
0xa6: {  	s4 =	sshll.u32 s26, $0x1;
	_ =	strace $0x80000046;
	[dreg:$0x1] =	wrdreg $0xFFFFFFFF  }
0xa7: {  	s28 =	simm.s32 $_size_execute0_lowered;
	s2 =	sadd.s32 s2, s4;
	[dreg:$0x0] =	wrdreg $0x0  }
0xa8: {  	s4 =	sshll.u32 s28, $0x1;
	[dreg:$0x2] =	wrdreg s2  }
0xa9: {  	[dreg:$0x3] =	wrdreg s4  }
0xaa: {  	[dreg:$0x4] =	wrdreg $0xC0  }
0xab: {  	_ =	task [dreg:s6], $0x5FFFF  }
0xac: {  	[dreg:$0x1] =	wrdreg $0xFFFFFFFF  }
0xad: {  	[dreg:$0x0] =	wrdreg $0x60  }
0xae: {  	[dreg:$0x2] =	wrdreg s24  }
0xaf: {  	[dreg:$0x3] =	wrdreg $0x80000  }
0xb0: {  	[dreg:$0x4] =	wrdreg $0x9  }
0xb1: {  	_ =	task.clear_ibuf [dreg:s6], $0x5FFFF;
	_ =	strace $0x90000046  }
0xb2: {  	s29 =	simm.s32 $0x9;
	_ =	strace $0x80000048  }
0xb3: {  	_ =	swait.ge [sflag:s29], $0x1  }
0xb4: {  	[sflag:s29] =	ssyncadd.s32 $0xFFFFFFFF  }
0xb5: {  	_ =	strace $0x90000048  }
0xb6: {  	_ =	sfence  }
0xb7: {  	s30 =	sld [smem:$0x0];
	_ =	sdelay $0x2  }
0xb8: {  	s31 =	sshll.u32 s1, $0xD;
	s1 =	sshrl.u32 s1, $0x2  }
0xb9: {  	s3 =	sand.u32 $0x4000, s31;
	s1 =	sadd.s32 s1, s30  }
0xba: {  	s0 =	sor.u32 s3, s0;
	s1 =	sshll.u32 s1, $0x11  }
0xbb: {  	s0 =	sor.u32 s1, s0  }
0xbc: {  	s0 =	sadd.s32 $0x8F2B, s0  }
0xbd: {  	[sflag:s0] =	ssyncadd.remote.s32 $0x1  }
0xbe: {  	_ =	sfence.sel $0xFFFF  }
0xbf: {  	[dreg:$0x0] =	wrdreg $0xFFFFFFFF;
	(pc) =	sbr.abs _section_cstart, $3  }
0xc0: {  	[dreg:$0x1] =	wrdreg $0xFFFFFFFF  }
0xc1: {  	_ =	task.clear_ibuf [dreg:s6], $0x2FFFF;
	_ =	strace $0x9FFFFFFF  }
0xc2: {  	(tm) =	ssettm $0x7FFFFFFF  }
0xc3: {  	_ =	shalt  }
tec
execute0_lowered:
.L_overlay_start_1:
0x0: {  	(tag) =	ssettag $0x1  }
0x1: {  	s6 =	rddreg [dreg:$0x0];
	s0 =	stileid.u32  }
0x2: {  	s1 =	srdreg.scid;
	s2 =	rddreg [dreg:$0x1];
	s3 =	simm.s32 $0x0  }
0x3: {  	s13 =	simm.s32 $0x5000;
	s14 =	simm.s32 $0x80;
	s4 =	smul.u32 $0xA00, s0  }
0x4: {  	s7 =	sand.u32 $0x1, s1;
	s8 =	smul.u32 $0x2800, s0;
	s1 =	rddreg [dreg:$0x2]  }
0x5: {  	s15 =	simm.s32 $0x0;
	[smem:$0x7FF] =	sst s3;
	s5 =	smul.u32 $0x28000, s7  }
0x6: {  	_ =	strace $0x80000047;
	s11 =	ssub.s32 $0x2, s7;
	s12 =	smul.u32 $0xA000, s7  }
0x7: {  	s9 =	sadd.s32 s4, s6;
	s4 =	sadd.s32 $0x15800, s6;
	s31 =	sshrl.u32 s11, $0x1  }
0x8: {  	s5 =	sadd.s32 s8, s5;
	s11 =	ssub.s32 s11, s31;
	s7 =	sadd.s32 $0xB800, s9  }
0x9: {  	s10 =	sshrl.u32 s5, $0x3;
	s5 =	sadd.s32 $0x15A00, s6;
	s9 =	smax.u32 s11, $0x1  }
0xa: {  	s11 =	simm.s32 $0x5800;
	s10 =	sadd.s32 s10, s6;
	s6 =	sadd.s32 s8, s2  }
0xb: {  	s8 =	sadd.s32 $0x16000, s10;
	s10 =	sshrl.u32 s12, $0x2;
	s12 =	simm.s32 $0x1  }
.LBB2_1:
0xc: {  	[tilespmem:s11], [sflag:$0x1] =	stream.linear.gather [hbm4b:s5+s3], $0x2800, $0x38;
	[tilespmem:$0xA800] =	vst v63  }
0xd: {  	_ =	swait.ge [sflag:s12], $0x2800  }
0xe: {  	[sflag:s12] =	ssyncset.done $0x0  }
0xf: {  	[sflag:s12] =	ssyncadd.s32 $0xFFFFD800  }
0x10: {  	[spmem:s6] =	stream.linear.scatter [tilespmem:s11], [sflag:$0x1], $0x2800, $0x38;
	[tilespmem:$0xA800] =	vst v63  }
0x11: {  	_ =	swait.ge [sflag:s12], $0x2800  }
0x12: {  	[sflag:s12] =	ssyncset.done $0x0  }
0x13: {  	[sflag:s12] =	ssyncadd.s32 $0xFFFFD800  }
0x14: {  	[tilespmem:s13], [sflag:$0x1] =	stream.linear.gather [hbm4b:s4+s3], $0x800, $0x38;
	[tilespmem:$0xA800] =	vst v63  }
0x15: {  	_ =	swait.ge [sflag:s12], $0x800  }
0x16: {  	[sflag:s12] =	ssyncset.done $0x0  }
0x17: {  	[sflag:s12] =	ssyncadd.s32 $0xFFFFF800  }
0x18: {  	[tilespmem:s3], [sflag:$0x1] =	stream.linear.gather [hbm4b:s7+s3], $0x5000, $0x38;
	[tilespmem:$0xA800] =	vst v63  }
0x19: {  	_ =	swait.ge [sflag:s12], $0x5000  }
0x1a: {  	[sflag:s12] =	ssyncset.done $0x0  }
0x1b: {  	[sflag:s12] =	ssyncadd.s32 $0xFFFFB000  }
0x1c: {  	s16 =	sadd.s32 $0x0, s10;
	[bflag:$0x0] =	sbarrier.arrive $0xFFFF  }
0x1d: {  	[spmem:s2] =	stream.indirect.scatter.add.f32 [tilespmem:s13], [sflag:$0x1], $0x10, s16, s14, $0xb8;
	[tilespmem:$0xA800] =	vst v63  }
0x1e: {  	s16 =	simm.s32 $0x200;
	_ =	swait.ge [sflag:s12], $0x800  }
.LBB2_2:
0x1f: {  	s17 =	sshra.s32 s16, $0x2;
	[sflag:s12] =	ssyncset.done $0x0;
	p0 =	sne.s32 s16, $0x9E00  }
.Ltmp0:
0x20: {  	s17 =	sadd.s32 s17, s10;
	[sflag:s12] =	ssyncadd.s32 $0xFFFFF800;
	(pc) =	sbr.rel @p0 .LBB2_2-.Ltmp0, $3  }
0x21: {  	[spmem:s2] =	stream.indirect.scatter.add.f32 [tilespmem:s13], [sflag:$0x1], $0x10, s17, s14, $0xb8;
	[tilespmem:$0xA800] =	vst v63  }
0x22: {  	s16 =	sadd.s32 $0x200, s16;
	_ =	sdelay $0x1  }
0x23: {  	_ =	swait.ge [sflag:s12], $0x800  }
0x24: {  	[sflag:s12] =	ssyncset.done $0x0  }
0x25: {  	[sflag:s12] =	ssyncadd.s32 $0xFFFFF800  }
0x26: {  	[bflag:$0x0] =	sbarrier.arrive $0xFFFF  }
0x27: {  	[tilespmem:s11], [sflag:$0x1] =	stream.linear.gather [spmem:s6], $0x2800, $0x38;
	[tilespmem:$0xA800] =	vst v63  }
0x28: {  	s15 =	sadd.s32 $0x1, s15;
	_ =	swait.ge [sflag:s12], $0x2800  }
0x29: {  	p0 =	sne.s32 s15, s9;
	[sflag:s12] =	ssyncset.done $0x0  }
.Ltmp1:
0x2a: {  	[sflag:s12] =	ssyncadd.s32 $0xFFFFD800;
	(pc) =	sbr.rel @p0 .LBB2_1-.Ltmp1, $4  }
0x2b: {  	[hbm4b:s8+s3] =	stream.linear.scatter [tilespmem:s11], [sflag:$0x1], $0x2800, $0x38;
	[tilespmem:$0xA800] =	vst v63  }
0x2c: {  	_ =	swait.ge [sflag:s12], $0x2800  }
0x2d: {  	[sflag:s12] =	ssyncset.done $0x0  }
0x2e: {  	[sflag:s12] =	ssyncadd.s32 $0xFFFFD800  }
0x2f: {  	_ =	sfence.sel $0x180000  }
0x30: {  	[bflag:$0x0] =	sbarrier.arrive $0xFFFF  }
0x31: {  	p0 =	sne.s32 s0, $0x0;
	_ =	strace $0x90000047  }
0x32: {  	s0 =	sadd.s32 @!p0 $0x100000, s1;
	[bflag:$0x2] =	sbarrier.arrive $0xFFFF  }
0x33: {  	[sflag:s0] =	ssyncadd.tile.s32 @!p0 $0x1;
	_ =	shalt  }
.Lfunc_end2:
_tile_overlayer_lowered:
.L_overlay_start_2:
0x34: {  	(tag) =	ssettag $0x2  }
0x35: {  	s0 =	rddreg [dreg:$0x0];
	s2 =	stileid.u32  }
0x36: {  	s1 =	rddreg [dreg:$0x1];
	p0 =	sne.s32 s2, $0x0  }
0x37: {  	s3 =	rddreg [dreg:$0x2];
	[bflag:$0x3] =	sbarrier.arrive $0xFFFF;
	s2 =	simm.s32 @!p0 $0x1C01  }
0x38: {  	[timem:s3], [sflag:s2] =	dma.local @!p0 [hbm:s0], s1  }
0x39: {  	s0 =	simm.s32 @!p0 $0x1  }
0x3a: {  	_ =	swait.ge @!p0 [sflag:s0], s1  }
0x3b: {  	s1 =	ssub.s32 @!p0 $0x0, s1;
	[sflag:s0] =	ssyncset.done @!p0 $0x0  }
0x3c: {  	[sflag:s0] =	ssyncadd.s32 @!p0 s1  }
0x3d: {  	[bflag:$0x3] =	sbarrier.arrive $0xFFFF  }
0x3e: {  	_ =	shalt  }

</sc_bundles>
